<compile_context>
chip_gen: v7x
topology: tpu7x:2x2x1
jax: 0.10.2.dev20260603
libtpu: 0.0.44.dev20260713+nightly
codegen_flags: <defaults>
</compile_context>

<pallas_src>
import functools

import jax
import jax.numpy as jnp
from jax import lax
from jax.experimental import pallas as pl
from jax.experimental.pallas import tpu as pltpu
from jax.experimental.pallas import tpu_sc as plsc

NC, NS, L16 = 2, 16, 16
NW = NC * NS
D = 32
T = 200
B = 4096
G = 128
C = 512
SUB = C // G
QB = B // C
GP = G + 1
CHUNKS_TOTAL = T * QB
CPW = CHUNKS_TOTAL // NW


def _body(ids4, p_hbm, l_hbm, x5, idx_v, bufp, bufl, obuf,
          gsem0, gsem1, ssem0, ssem1):
    gsems = (gsem0, gsem1)
    ssems = (ssem0, ssem1)
    wid = lax.axis_index("s") * NC + lax.axis_index("c")
    t_base = (wid % 4) * CPW
    bt0 = (wid // 4) * SUB

    iota = lax.iota(jnp.int32, L16)

    def chunk_coords(g):
        t = t_base + g
        return t >> 3, t & 7, t

    def fetch_slab(g):
        th, _, _ = chunk_coords(g)
        pltpu.sync_copy(ids4.at[th, pl.ds(bt0, SUB)], idx_v)

    def issue_gathers(g, slot):
        _, tl, _ = chunk_coords(g)
        for j in range(SUB):
            dst = pl.ds(j * G, G)
            row = idx_v.at[j, tl]
            pltpu.async_copy(p_hbm.at[row], bufp.at[slot].at[dst], gsems[slot])
            pltpu.async_copy(l_hbm.at[row], bufl.at[slot].at[dst], gsems[slot])

    def wait_gathers(slot):
        pltpu.make_async_copy(p_hbm.at[pl.ds(0, C)], bufp.at[slot], gsems[slot]).wait()
        pltpu.make_async_copy(l_hbm.at[pl.ds(0, C)], bufl.at[slot], gsems[slot]).wait()

    def transpose_add(slot):
        bp = bufp.at[slot]
        bl = bufl.at[slot]
        ob = obuf.at[slot]
        consts = []
        for h in range(2):
            d = h * L16 + iota
            consts.append((d >> 3, d & 7))

        @plsc.parallel_loop(0, C, unroll=4)
        def _b(b):
            k_vec = jnp.broadcast_to(b >> 7, (L16,))
            bs_vec = jnp.broadcast_to(b & (G - 1), (L16,))
            for h in range(2):
                sl = pl.ds(h * L16, L16)
                v = bp[b, sl] + bl[b, sl]
                plsc.store_scatter(ob, [consts[h][0], k_vec, consts[h][1], bs_vec], v)

    def issue_store(g, slot):
        _, _, t = chunk_coords(g)
        src = obuf.at[slot].at[:, :, :, pl.ds(0, G)]
        pltpu.async_copy(src, x5.at[t, :, pl.ds(bt0, SUB)], ssems[slot])

    def wait_store(slot):
        dst = obuf.at[slot].at[:, :, :, pl.ds(0, G)]
        pltpu.make_async_copy(x5.at[0, :, pl.ds(0, SUB)], dst, ssems[slot]).wait()

    fetch_slab(0)
    issue_gathers(0, 0)

    @pl.loop(0, CPW)
    def _chunk(g):
        for slot in range(2):
            on = (g & 1) == slot

            @pl.when(on & (g >= 1))
            def _():
                wait_store(1 - slot)

            @pl.when(on & (g + 1 < CPW))
            def _():
                _, tl_next, _ = chunk_coords(g + 1)

                @pl.when(tl_next == 0)
                def _():
                    fetch_slab(g + 1)

                issue_gathers(g + 1, 1 - slot)

            @pl.when(on)
            def _():
                wait_gathers(slot)
                transpose_add(slot)
                issue_store(g, slot)

    wait_store((CPW - 1) % 2)


@functools.partial(
    pl.kernel,
    out_type=jax.ShapeDtypeStruct((T, 4, B // G, 8, G), jnp.float32),
    mesh=plsc.VectorSubcoreMesh(core_axis_name="c", subcore_axis_name="s"),
    scratch_types=[
        pltpu.VMEM((SUB, 8, G), jnp.int32),
        pltpu.VMEM((2, C, D), jnp.float32),
        pltpu.VMEM((2, C, D), jnp.float32),
        pltpu.VMEM((2, 4, SUB, 8, GP), jnp.float32),
        pltpu.SemaphoreType.DMA,
        pltpu.SemaphoreType.DMA,
        pltpu.SemaphoreType.DMA,
        pltpu.SemaphoreType.DMA,
    ],
    compiler_params=pltpu.CompilerParams(
        use_tc_tiling_on_sc=False, needs_layout_passes=False
    ),
)
def _dual_embed(ids4, p_hbm, l_hbm, x5, idx_v, bufp, bufl, obuf,
                gsem0, gsem1, ssem0, ssem1):
    _body(ids4, p_hbm, l_hbm, x5, idx_v, bufp, bufl, obuf,
          gsem0, gsem1, ssem0, ssem1)


@jax.jit
def kernel(input_ids, pretrained_weight, learnable_weight):
    ids4 = (
        input_ids.astype(jnp.int32).T
        .reshape(T // 8, 8, B // G, G)
        .transpose(0, 2, 1, 3)
    )
    x5 = _dual_embed(ids4, pretrained_weight, learnable_weight)
    return x5.transpose(2, 4, 0, 1, 3).reshape(B, T, D)

# --- scband reference (transcript-rebuilt; emitter-appended) ---
"""Pipeline reference for scband-dual-embedding-58411555225812 (READ-ONLY COPY).

The authoritative reference and input builder live on the scoring server;
editing this copy changes nothing except your own understanding.
"""

import jax, jax.numpy as jnp
import numpy as np

VOCAB = 1000000
DIM = 32
PAD_IDX = 0

def setup_inputs(seed: int = 0) -> dict:
    key = jax.random.key(seed)
    k1, k2, k3 = jax.random.split(key, 3)
    input_ids = jax.random.randint(k1, (4096, 200), 0, VOCAB, dtype=jnp.int64)
    pretrained_weight = jax.random.normal(k2, (VOCAB, DIM), dtype=jnp.float32)
    learnable_weight = jax.random.normal(k3, (VOCAB, DIM), dtype=jnp.float32) * (2.0 / (VOCAB + DIM)) ** 0.5
    # zero padding rows, matching nn.Embedding(padding_idx=0) init
    pretrained_weight = pretrained_weight.at[PAD_IDX].set(0.0)
    learnable_weight = learnable_weight.at[PAD_IDX].set(0.0)
    return {"input_ids": input_ids, "pretrained_weight": pretrained_weight, "learnable_weight": learnable_weight}

def reference(input_ids, pretrained_weight, learnable_weight):
    pretrained_embeds = jnp.take(pretrained_weight, input_ids, axis=0)
    learnable_embeds = jnp.take(learnable_weight, input_ids, axis=0)
    return pretrained_embeds + learnable_embeds

if __name__ == "__main__":
    import jax
    _d = setup_inputs()
    print(jax.jit(kernel)(*tuple(_d.values())))

</pallas_src>

<mosaic_0001>
#map = affine_map<(d0, d1) -> (0, 0, 0, 0)>
#map1 = affine_map<(d0, d1) -> (0, 0)>
#map2 = affine_map<(d0, d1) -> (0, 0, 0, 0, 0)>
module attributes {stable_mosaic.version = 14 : i64} {
  func.func @_dual_embed(%arg0: i32, %arg1: i32, %arg2: memref<25x32x8x128xi32, #tpu.memory_space<hbm>>, %arg3: memref<1000000x32xf32, #tpu.memory_space<hbm>>, %arg4: memref<1000000x32xf32, #tpu.memory_space<hbm>>, %arg5: memref<200x4x32x8x128xf32, #tpu.memory_space<hbm>>, %arg6: memref<4x8x128xi32, #tpu.memory_space<vmem>>, %arg7: memref<2x512x32xf32, #tpu.memory_space<vmem>>, %arg8: memref<2x512x32xf32, #tpu.memory_space<vmem>>, %arg9: memref<2x4x4x8x129xf32, #tpu.memory_space<vmem>>, %arg10: memref<!tpu.dma_semaphore, #tpu.memory_space<semaphore_mem>>, %arg11: memref<!tpu.dma_semaphore, #tpu.memory_space<semaphore_mem>>, %arg12: memref<!tpu.dma_semaphore, #tpu.memory_space<semaphore_mem>>, %arg13: memref<!tpu.dma_semaphore, #tpu.memory_space<semaphore_mem>>) attributes {dimension_semantics = [#tpu.dimension_semantics<core_parallel>, #tpu.dimension_semantics<subcore_parallel>], iteration_bounds = array<i64: 2, 16>, scalar_prefetch = 0 : i64, scratch_operands = 8 : i64, tpu.core_type = #tpu.core_type<sc_vector_subcore>, window_params = [{transform_indices = #map}, {transform_indices = #map1}, {transform_indices = #map1}, {transform_indices = #map2}]} {
    %mul3A = arith.constant 2 : i32
    %mul3A_0 = arith.muli %arg1, %mul3A : i32
    %add3A = arith.addi %mul3A_0, %arg0 : i32
    %jit3A = arith.constant 4 : i32
    %eq3A = arith.constant 0 : i32
    %eq3A_1 = arith.cmpi eq, %jit3A, %eq3A : i32
    %jit3A_2 = arith.constant 1 : i32
    %select_n3A = arith.select %eq3A_1, %jit3A_2, %jit3A : i32
    %rem3A = arith.remsi %add3A, %select_n3A : i32
    %ne3A = arith.constant 0 : i32
    %ne3A_3 = arith.cmpi ne, %rem3A, %ne3A : i32
    %lt3A = arith.constant 0 : i32
    %lt3A_4 = arith.cmpi slt, %rem3A, %lt3A : i32
    %lt3A_5 = arith.constant 0 : i32
    %lt3A_6 = arith.cmpi slt, %select_n3A, %lt3A_5 : i32
    %ne3A_7 = arith.xori %lt3A_4, %lt3A_6 : i1
    %and3A = arith.andi %ne3A_7, %ne3A_3 : i1
    %add3A_8 = arith.addi %rem3A, %select_n3A : i32
    %select_n3A_9 = arith.select %and3A, %add3A_8, %rem3A : i32
    %mul3A_10 = arith.constant 50 : i32
    %mul3A_11 = arith.muli %select_n3A_9, %mul3A_10 : i32
    %jit3A_12 = arith.constant 4 : i32
    %div3A = arith.divsi %add3A, %jit3A_12 : i32
    %sign3A = arith.constant 0 : i32
    %sign3A_13 = arith.cmpi sgt, %add3A, %sign3A : i32
    %sign3A_14 = arith.extui %sign3A_13 : i1 to i32
    %sign3A_15 = arith.constant 0 : i32
    %sign3A_16 = arith.cmpi slt, %add3A, %sign3A_15 : i32
    %sign3A_17 = arith.extui %sign3A_16 : i1 to i32
    %sign3A_18 = arith.subi %sign3A_14, %sign3A_17 : i32
    %sign3A_19 = arith.constant 0 : i32
    %sign3A_20 = arith.cmpi sgt, %jit3A_12, %sign3A_19 : i32
    %sign3A_21 = arith.extui %sign3A_20 : i1 to i32
    %sign3A_22 = arith.constant 0 : i32
    %sign3A_23 = arith.cmpi slt, %jit3A_12, %sign3A_22 : i32
    %sign3A_24 = arith.extui %sign3A_23 : i1 to i32
    %sign3A_25 = arith.subi %sign3A_21, %sign3A_24 : i32
    %ne3A_26 = arith.cmpi ne, %sign3A_18, %sign3A_25 : i32
    %rem3A_27 = arith.remsi %add3A, %jit3A_12 : i32
    %ne3A_28 = arith.constant 0 : i32
    %ne3A_29 = arith.cmpi ne, %rem3A_27, %ne3A_28 : i32
    %and3A_30 = arith.andi %ne3A_26, %ne3A_29 : i1
    %sub3A = arith.constant 1 : i32
    %sub3A_31 = arith.subi %div3A, %sub3A : i32
    %select_n3A_32 = arith.select %and3A_30, %sub3A_31, %div3A : i32
    %mul3A_33 = arith.constant 4 : i32
    %mul3A_34 = arith.muli %select_n3A_32, %mul3A_33 : i32
    %iota3A = tpu.iota {dimensions = array<i32: 0>} : vector<16xi32>
    %add3A_35 = arith.constant 0 : i32
    %add3A_36 = arith.addi %mul3A_11, %add3A_35 : i32
    %shift_right_arithmetic3A = arith.constant 3 : i32
    %shift_right_arithmetic3A_37 = arith.shrsi %add3A_36, %shift_right_arithmetic3A : i32
    %and3A_38 = arith.constant 7 : i32
    %and3A_39 = arith.andi %add3A_36, %and3A_38 : i32
    "tpu.region"() ({
      %run_scoped3A = tpu.sem_alloc : memref<!tpu.dma_semaphore, #tpu.memory_space<semaphore_mem>>
      %dma_start3A_204 = arith.constant 0 : i32
      %dma_start3A_205 = arith.constant 0 : i32
      %dma_start3A_206 = tpu.memref_slice %arg2[%shift_right_arithmetic3A_37, %mul3A_34, %dma_start3A_204, %dma_start3A_205] : memref<25x32x8x128xi32, #tpu.memory_space<hbm>> -> memref<1x4x8x128xi32, #tpu.memory_space<hbm>>
      %dma_start3A_207 = tpu.memref_squeeze %dma_start3A_206 : memref<1x4x8x128xi32, #tpu.memory_space<hbm>> -> memref<4x8x128xi32, #tpu.memory_space<hbm>>
      %dma_start3A_208 = arith.constant 0 : i32
      %dma_start3A_209 = arith.constant 0 : i32
      %dma_start3A_210 = tpu.memref_slice %arg2[%shift_right_arithmetic3A_37, %mul3A_34, %dma_start3A_208, %dma_start3A_209] : memref<25x32x8x128xi32, #tpu.memory_space<hbm>> -> memref<1x4x8x128xi32, #tpu.memory_space<hbm>>
      %dma_start3A_211 = tpu.memref_squeeze %dma_start3A_210 : memref<1x4x8x128xi32, #tpu.memory_space<hbm>> -> memref<4x8x128xi32, #tpu.memory_space<hbm>>
      tpu.enqueue_dma source(%dma_start3A_211 : memref<4x8x128xi32, #tpu.memory_space<hbm>>) target(%arg6 : memref<4x8x128xi32, #tpu.memory_space<vmem>>) target_semaphore(%run_scoped3A : memref<!tpu.dma_semaphore, #tpu.memory_space<semaphore_mem>>)
      %dma_wait3A_212 = arith.constant 0 : i32
      %dma_wait3A_213 = arith.constant 0 : i32
      %dma_wait3A_214 = tpu.memref_slice %arg2[%shift_right_arithmetic3A_37, %mul3A_34, %dma_wait3A_212, %dma_wait3A_213] : memref<25x32x8x128xi32, #tpu.memory_space<hbm>> -> memref<1x4x8x128xi32, #tpu.memory_space<hbm>>
      %dma_wait3A_215 = tpu.memref_squeeze %dma_wait3A_214 : memref<1x4x8x128xi32, #tpu.memory_space<hbm>> -> memref<4x8x128xi32, #tpu.memory_space<hbm>>
      %dma_wait3A_216 = arith.constant 0 : i32
      %dma_wait3A_217 = arith.constant 0 : i32
      %dma_wait3A_218 = tpu.memref_slice %arg2[%shift_right_arithmetic3A_37, %mul3A_34, %dma_wait3A_216, %dma_wait3A_217] : memref<25x32x8x128xi32, #tpu.memory_space<hbm>> -> memref<1x4x8x128xi32, #tpu.memory_space<hbm>>
      %dma_wait3A_219 = tpu.memref_squeeze %dma_wait3A_218 : memref<1x4x8x128xi32, #tpu.memory_space<hbm>> -> memref<4x8x128xi32, #tpu.memory_space<hbm>>
      tpu.wait_dma2 semaphore(%run_scoped3A : memref<!tpu.dma_semaphore, #tpu.memory_space<semaphore_mem>>) src(%dma_wait3A_219 : memref<4x8x128xi32, #tpu.memory_space<hbm>>) dst(%arg6 : memref<4x8x128xi32, #tpu.memory_space<vmem>>)
      tpu.yield
    }) : () -> ()
    %add3A_40 = arith.constant 0 : i32
    %add3A_41 = arith.addi %mul3A_11, %add3A_40 : i32
    %shift_right_arithmetic3A_42 = arith.constant 3 : i32
    %shift_right_arithmetic3A_43 = arith.shrsi %add3A_41, %shift_right_arithmetic3A_42 : i32
    %and3A_44 = arith.constant 7 : i32
    %and3A_45 = arith.andi %add3A_41, %and3A_44 : i32
    %dma_start3A = arith.constant 0 : i32
    %dma_start3A_46 = arith.constant 0 : i32
    %dma_start3A_47 = arith.constant 0 : i32
    %dma_start3A_48 = arith.constant 0 : i32
    %dma_start3A_49 = tpu.memref_slice %arg7[%dma_start3A_46, %dma_start3A_47, %dma_start3A_48] : memref<2x512x32xf32, #tpu.memory_space<vmem>> -> memref<1x512x32xf32, #tpu.memory_space<vmem>>
    %dma_start3A_50 = tpu.memref_squeeze %dma_start3A_49 : memref<1x512x32xf32, #tpu.memory_space<vmem>> -> memref<512x32xf32, #tpu.memory_space<vmem>>
    %dma_start3A_51 = arith.constant 0 : i32
    %dma_start3A_52 = arith.constant 0 : i32
    %dma_start3A_53 = tpu.memref_slice %dma_start3A_50[%dma_start3A_51, %dma_start3A_52] : memref<512x32xf32, #tpu.memory_space<vmem>> -> memref<128x32xf32, #tpu.memory_space<vmem>>
    %dma_start3A_54 = arith.constant 0 : i32
    %dma_start3A_55 = tpu.memref_slice %arg6[%dma_start3A, %and3A_45, %dma_start3A_54] : memref<4x8x128xi32, #tpu.memory_space<vmem>> -> memref<1x1x128xi32, #tpu.memory_space<vmem>>
    %dma_start3A_56 = tpu.memref_squeeze %dma_start3A_55 : memref<1x1x128xi32, #tpu.memory_space<vmem>> -> memref<128xi32, #tpu.memory_space<vmem>>
    %dma_start3A_57 = arith.constant 0 : i32
    %dma_start3A_58 = arith.constant 0 : i32
    %dma_start3A_59 = tpu.memref_slice %arg3[%dma_start3A_57, %dma_start3A_58] : memref<1000000x32xf32, #tpu.memory_space<hbm>> -> memref<1000000x32xf32, #tpu.memory_space<hbm>>
    tpu.enqueue_indirect_dma source(%dma_start3A_59 : memref<1000000x32xf32, #tpu.memory_space<hbm>>) target(%dma_start3A_53 : memref<128x32xf32, #tpu.memory_space<vmem>>) offsets(%dma_start3A_56 : memref<128xi32, #tpu.memory_space<vmem>>) semaphore(%arg10 : memref<!tpu.dma_semaphore, #tpu.memory_space<semaphore_mem>>)
    %dma_start3A_60 = arith.constant 0 : i32
    %dma_start3A_61 = arith.constant 0 : i32
    %dma_start3A_62 = arith.constant 0 : i32
    %dma_start3A_63 = arith.constant 0 : i32
    %dma_start3A_64 = tpu.memref_slice %arg8[%dma_start3A_61, %dma_start3A_62, %dma_start3A_63] : memref<2x512x32xf32, #tpu.memory_space<vmem>> -> memref<1x512x32xf32, #tpu.memory_space<vmem>>
    %dma_start3A_65 = tpu.memref_squeeze %dma_start3A_64 : memref<1x512x32xf32, #tpu.memory_space<vmem>> -> memref<512x32xf32, #tpu.memory_space<vmem>>
    %dma_start3A_66 = arith.constant 0 : i32
    %dma_start3A_67 = arith.constant 0 : i32
    %dma_start3A_68 = tpu.memref_slice %dma_start3A_65[%dma_start3A_66, %dma_start3A_67] : memref<512x32xf32, #tpu.memory_space<vmem>> -> memref<128x32xf32, #tpu.memory_space<vmem>>
    %dma_start3A_69 = arith.constant 0 : i32
    %dma_start3A_70 = tpu.memref_slice %arg6[%dma_start3A_60, %and3A_45, %dma_start3A_69] : memref<4x8x128xi32, #tpu.memory_space<vmem>> -> memref<1x1x128xi32, #tpu.memory_space<vmem>>
    %dma_start3A_71 = tpu.memref_squeeze %dma_start3A_70 : memref<1x1x128xi32, #tpu.memory_space<vmem>> -> memref<128xi32, #tpu.memory_space<vmem>>
    %dma_start3A_72 = arith.constant 0 : i32
    %dma_start3A_73 = arith.constant 0 : i32
    %dma_start3A_74 = tpu.memref_slice %arg4[%dma_start3A_72, %dma_start3A_73] : memref<1000000x32xf32, #tpu.memory_space<hbm>> -> memref<1000000x32xf32, #tpu.memory_space<hbm>>
    tpu.enqueue_indirect_dma source(%dma_start3A_74 : memref<1000000x32xf32, #tpu.memory_space<hbm>>) target(%dma_start3A_68 : memref<128x32xf32, #tpu.memory_space<vmem>>) offsets(%dma_start3A_71 : memref<128xi32, #tpu.memory_space<vmem>>) semaphore(%arg10 : memref<!tpu.dma_semaphore, #tpu.memory_space<semaphore_mem>>)
    %dma_start3A_75 = arith.constant 1 : i32
    %dma_start3A_76 = arith.constant 0 : i32
    %dma_start3A_77 = arith.constant 0 : i32
    %dma_start3A_78 = arith.constant 0 : i32
    %dma_start3A_79 = tpu.memref_slice %arg7[%dma_start3A_76, %dma_start3A_77, %dma_start3A_78] : memref<2x512x32xf32, #tpu.memory_space<vmem>> -> memref<1x512x32xf32, #tpu.memory_space<vmem>>
    %dma_start3A_80 = tpu.memref_squeeze %dma_start3A_79 : memref<1x512x32xf32, #tpu.memory_space<vmem>> -> memref<512x32xf32, #tpu.memory_space<vmem>>
    %dma_start3A_81 = arith.constant 128 : i32
    %dma_start3A_82 = arith.constant 0 : i32
    %dma_start3A_83 = tpu.memref_slice %dma_start3A_80[%dma_start3A_81, %dma_start3A_82] : memref<512x32xf32, #tpu.memory_space<vmem>> -> memref<128x32xf32, #tpu.memory_space<vmem>>
    %dma_start3A_84 = arith.constant 0 : i32
    %dma_start3A_85 = tpu.memref_slice %arg6[%dma_start3A_75, %and3A_45, %dma_start3A_84] : memref<4x8x128xi32, #tpu.memory_space<vmem>> -> memref<1x1x128xi32, #tpu.memory_space<vmem>>
    %dma_start3A_86 = tpu.memref_squeeze %dma_start3A_85 : memref<1x1x128xi32, #tpu.memory_space<vmem>> -> memref<128xi32, #tpu.memory_space<vmem>>
    %dma_start3A_87 = arith.constant 0 : i32
    %dma_start3A_88 = arith.constant 0 : i32
    %dma_start3A_89 = tpu.memref_slice %arg3[%dma_start3A_87, %dma_start3A_88] : memref<1000000x32xf32, #tpu.memory_space<hbm>> -> memref<1000000x32xf32, #tpu.memory_space<hbm>>
    tpu.enqueue_indirect_dma source(%dma_start3A_89 : memref<1000000x32xf32, #tpu.memory_space<hbm>>) target(%dma_start3A_83 : memref<128x32xf32, #tpu.memory_space<vmem>>) offsets(%dma_start3A_86 : memref<128xi32, #tpu.memory_space<vmem>>) semaphore(%arg10 : memref<!tpu.dma_semaphore, #tpu.memory_space<semaphore_mem>>)
    %dma_start3A_90 = arith.constant 1 : i32
    %dma_start3A_91 = arith.constant 0 : i32
    %dma_start3A_92 = arith.constant 0 : i32
    %dma_start3A_93 = arith.constant 0 : i32
    %dma_start3A_94 = tpu.memref_slice %arg8[%dma_start3A_91, %dma_start3A_92, %dma_start3A_93] : memref<2x512x32xf32, #tpu.memory_space<vmem>> -> memref<1x512x32xf32, #tpu.memory_space<vmem>>
    %dma_start3A_95 = tpu.memref_squeeze %dma_start3A_94 : memref<1x512x32xf32, #tpu.memory_space<vmem>> -> memref<512x32xf32, #tpu.memory_space<vmem>>
    %dma_start3A_96 = arith.constant 128 : i32
    %dma_start3A_97 = arith.constant 0 : i32
    %dma_start3A_98 = tpu.memref_slice %dma_start3A_95[%dma_start3A_96, %dma_start3A_97] : memref<512x32xf32, #tpu.memory_space<vmem>> -> memref<128x32xf32, #tpu.memory_space<vmem>>
    %dma_start3A_99 = arith.constant 0 : i32
    %dma_start3A_100 = tpu.memref_slice %arg6[%dma_start3A_90, %and3A_45, %dma_start3A_99] : memref<4x8x128xi32, #tpu.memory_space<vmem>> -> memref<1x1x128xi32, #tpu.memory_space<vmem>>
    %dma_start3A_101 = tpu.memref_squeeze %dma_start3A_100 : memref<1x1x128xi32, #tpu.memory_space<vmem>> -> memref<128xi32, #tpu.memory_space<vmem>>
    %dma_start3A_102 = arith.constant 0 : i32
    %dma_start3A_103 = arith.constant 0 : i32
    %dma_start3A_104 = tpu.memref_slice %arg4[%dma_start3A_102, %dma_start3A_103] : memref<1000000x32xf32, #tpu.memory_space<hbm>> -> memref<1000000x32xf32, #tpu.memory_space<hbm>>
    tpu.enqueue_indirect_dma source(%dma_start3A_104 : memref<1000000x32xf32, #tpu.memory_space<hbm>>) target(%dma_start3A_98 : memref<128x32xf32, #tpu.memory_space<vmem>>) offsets(%dma_start3A_101 : memref<128xi32, #tpu.memory_space<vmem>>) semaphore(%arg10 : memref<!tpu.dma_semaphore, #tpu.memory_space<semaphore_mem>>)
    %dma_start3A_105 = arith.constant 2 : i32
    %dma_start3A_106 = arith.constant 0 : i32
    %dma_start3A_107 = arith.constant 0 : i32
    %dma_start3A_108 = arith.constant 0 : i32
    %dma_start3A_109 = tpu.memref_slice %arg7[%dma_start3A_106, %dma_start3A_107, %dma_start3A_108] : memref<2x512x32xf32, #tpu.memory_space<vmem>> -> memref<1x512x32xf32, #tpu.memory_space<vmem>>
    %dma_start3A_110 = tpu.memref_squeeze %dma_start3A_109 : memref<1x512x32xf32, #tpu.memory_space<vmem>> -> memref<512x32xf32, #tpu.memory_space<vmem>>
    %dma_start3A_111 = arith.constant 256 : i32
    %dma_start3A_112 = arith.constant 0 : i32
    %dma_start3A_113 = tpu.memref_slice %dma_start3A_110[%dma_start3A_111, %dma_start3A_112] : memref<512x32xf32, #tpu.memory_space<vmem>> -> memref<128x32xf32, #tpu.memory_space<vmem>>
    %dma_start3A_114 = arith.constant 0 : i32
    %dma_start3A_115 = tpu.memref_slice %arg6[%dma_start3A_105, %and3A_45, %dma_start3A_114] : memref<4x8x128xi32, #tpu.memory_space<vmem>> -> memref<1x1x128xi32, #tpu.memory_space<vmem>>
    %dma_start3A_116 = tpu.memref_squeeze %dma_start3A_115 : memref<1x1x128xi32, #tpu.memory_space<vmem>> -> memref<128xi32, #tpu.memory_space<vmem>>
    %dma_start3A_117 = arith.constant 0 : i32
    %dma_start3A_118 = arith.constant 0 : i32
    %dma_start3A_119 = tpu.memref_slice %arg3[%dma_start3A_117, %dma_start3A_118] : memref<1000000x32xf32, #tpu.memory_space<hbm>> -> memref<1000000x32xf32, #tpu.memory_space<hbm>>
    tpu.enqueue_indirect_dma source(%dma_start3A_119 : memref<1000000x32xf32, #tpu.memory_space<hbm>>) target(%dma_start3A_113 : memref<128x32xf32, #tpu.memory_space<vmem>>) offsets(%dma_start3A_116 : memref<128xi32, #tpu.memory_space<vmem>>) semaphore(%arg10 : memref<!tpu.dma_semaphore, #tpu.memory_space<semaphore_mem>>)
    %dma_start3A_120 = arith.constant 2 : i32
    %dma_start3A_121 = arith.constant 0 : i32
    %dma_start3A_122 = arith.constant 0 : i32
    %dma_start3A_123 = arith.constant 0 : i32
    %dma_start3A_124 = tpu.memref_slice %arg8[%dma_start3A_121, %dma_start3A_122, %dma_start3A_123] : memref<2x512x32xf32, #tpu.memory_space<vmem>> -> memref<1x512x32xf32, #tpu.memory_space<vmem>>
    %dma_start3A_125 = tpu.memref_squeeze %dma_start3A_124 : memref<1x512x32xf32, #tpu.memory_space<vmem>> -> memref<512x32xf32, #tpu.memory_space<vmem>>
    %dma_start3A_126 = arith.constant 256 : i32
    %dma_start3A_127 = arith.constant 0 : i32
    %dma_start3A_128 = tpu.memref_slice %dma_start3A_125[%dma_start3A_126, %dma_start3A_127] : memref<512x32xf32, #tpu.memory_space<vmem>> -> memref<128x32xf32, #tpu.memory_space<vmem>>
    %dma_start3A_129 = arith.constant 0 : i32
    %dma_start3A_130 = tpu.memref_slice %arg6[%dma_start3A_120, %and3A_45, %dma_start3A_129] : memref<4x8x128xi32, #tpu.memory_space<vmem>> -> memref<1x1x128xi32, #tpu.memory_space<vmem>>
    %dma_start3A_131 = tpu.memref_squeeze %dma_start3A_130 : memref<1x1x128xi32, #tpu.memory_space<vmem>> -> memref<128xi32, #tpu.memory_space<vmem>>
    %dma_start3A_132 = arith.constant 0 : i32
    %dma_start3A_133 = arith.constant 0 : i32
    %dma_start3A_134 = tpu.memref_slice %arg4[%dma_start3A_132, %dma_start3A_133] : memref<1000000x32xf32, #tpu.memory_space<hbm>> -> memref<1000000x32xf32, #tpu.memory_space<hbm>>
    tpu.enqueue_indirect_dma source(%dma_start3A_134 : memref<1000000x32xf32, #tpu.memory_space<hbm>>) target(%dma_start3A_128 : memref<128x32xf32, #tpu.memory_space<vmem>>) offsets(%dma_start3A_131 : memref<128xi32, #tpu.memory_space<vmem>>) semaphore(%arg10 : memref<!tpu.dma_semaphore, #tpu.memory_space<semaphore_mem>>)
    %dma_start3A_135 = arith.constant 3 : i32
    %dma_start3A_136 = arith.constant 0 : i32
    %dma_start3A_137 = arith.constant 0 : i32
    %dma_start3A_138 = arith.constant 0 : i32
    %dma_start3A_139 = tpu.memref_slice %arg7[%dma_start3A_136, %dma_start3A_137, %dma_start3A_138] : memref<2x512x32xf32, #tpu.memory_space<vmem>> -> memref<1x512x32xf32, #tpu.memory_space<vmem>>
    %dma_start3A_140 = tpu.memref_squeeze %dma_start3A_139 : memref<1x512x32xf32, #tpu.memory_space<vmem>> -> memref<512x32xf32, #tpu.memory_space<vmem>>
    %dma_start3A_141 = arith.constant 384 : i32
    %dma_start3A_142 = arith.constant 0 : i32
    %dma_start3A_143 = tpu.memref_slice %dma_start3A_140[%dma_start3A_141, %dma_start3A_142] : memref<512x32xf32, #tpu.memory_space<vmem>> -> memref<128x32xf32, #tpu.memory_space<vmem>>
    %dma_start3A_144 = arith.constant 0 : i32
    %dma_start3A_145 = tpu.memref_slice %arg6[%dma_start3A_135, %and3A_45, %dma_start3A_144] : memref<4x8x128xi32, #tpu.memory_space<vmem>> -> memref<1x1x128xi32, #tpu.memory_space<vmem>>
    %dma_start3A_146 = tpu.memref_squeeze %dma_start3A_145 : memref<1x1x128xi32, #tpu.memory_space<vmem>> -> memref<128xi32, #tpu.memory_space<vmem>>
    %dma_start3A_147 = arith.constant 0 : i32
    %dma_start3A_148 = arith.constant 0 : i32
    %dma_start3A_149 = tpu.memref_slice %arg3[%dma_start3A_147, %dma_start3A_148] : memref<1000000x32xf32, #tpu.memory_space<hbm>> -> memref<1000000x32xf32, #tpu.memory_space<hbm>>
    tpu.enqueue_indirect_dma source(%dma_start3A_149 : memref<1000000x32xf32, #tpu.memory_space<hbm>>) target(%dma_start3A_143 : memref<128x32xf32, #tpu.memory_space<vmem>>) offsets(%dma_start3A_146 : memref<128xi32, #tpu.memory_space<vmem>>) semaphore(%arg10 : memref<!tpu.dma_semaphore, #tpu.memory_space<semaphore_mem>>)
    %dma_start3A_150 = arith.constant 3 : i32
    %dma_start3A_151 = arith.constant 0 : i32
    %dma_start3A_152 = arith.constant 0 : i32
    %dma_start3A_153 = arith.constant 0 : i32
    %dma_start3A_154 = tpu.memref_slice %arg8[%dma_start3A_151, %dma_start3A_152, %dma_start3A_153] : memref<2x512x32xf32, #tpu.memory_space<vmem>> -> memref<1x512x32xf32, #tpu.memory_space<vmem>>
    %dma_start3A_155 = tpu.memref_squeeze %dma_start3A_154 : memref<1x512x32xf32, #tpu.memory_space<vmem>> -> memref<512x32xf32, #tpu.memory_space<vmem>>
    %dma_start3A_156 = arith.constant 384 : i32
    %dma_start3A_157 = arith.constant 0 : i32
    %dma_start3A_158 = tpu.memref_slice %dma_start3A_155[%dma_start3A_156, %dma_start3A_157] : memref<512x32xf32, #tpu.memory_space<vmem>> -> memref<128x32xf32, #tpu.memory_space<vmem>>
    %dma_start3A_159 = arith.constant 0 : i32
    %dma_start3A_160 = tpu.memref_slice %arg6[%dma_start3A_150, %and3A_45, %dma_start3A_159] : memref<4x8x128xi32, #tpu.memory_space<vmem>> -> memref<1x1x128xi32, #tpu.memory_space<vmem>>
    %dma_start3A_161 = tpu.memref_squeeze %dma_start3A_160 : memref<1x1x128xi32, #tpu.memory_space<vmem>> -> memref<128xi32, #tpu.memory_space<vmem>>
    %dma_start3A_162 = arith.constant 0 : i32
    %dma_start3A_163 = arith.constant 0 : i32
    %dma_start3A_164 = tpu.memref_slice %arg4[%dma_start3A_162, %dma_start3A_163] : memref<1000000x32xf32, #tpu.memory_space<hbm>> -> memref<1000000x32xf32, #tpu.memory_space<hbm>>
    tpu.enqueue_indirect_dma source(%dma_start3A_164 : memref<1000000x32xf32, #tpu.memory_space<hbm>>) target(%dma_start3A_158 : memref<128x32xf32, #tpu.memory_space<vmem>>) offsets(%dma_start3A_161 : memref<128xi32, #tpu.memory_space<vmem>>) semaphore(%arg10 : memref<!tpu.dma_semaphore, #tpu.memory_space<semaphore_mem>>)
    %scan3A = arith.constant 0 : i32
    %scan3A_165 = arith.constant 50 : i32
    %scan3A_166 = arith.addi %scan3A, %scan3A_165 : i32
    %scan3A_167 = arith.constant 1 : i32
    scf.for %scan3A_204 = %scan3A to %scan3A_166 step %scan3A_167  : i32 {
      %mul3A_205 = arith.constant 1 : i32
      %mul3A_206 = arith.muli %scan3A_204, %mul3A_205 : i32
      %add3A_207 = arith.constant 0 : i32
      %add3A_208 = arith.addi %add3A_207, %mul3A_206 : i32
      %and3A_209 = arith.constant 1 : i32
      %and3A_210 = arith.andi %add3A_208, %and3A_209 : i32
      %eq3A_211 = arith.constant 0 : i32
      %eq3A_212 = arith.cmpi eq, %and3A_210, %eq3A_211 : i32
      %ge3A = arith.constant 1 : i32
      %ge3A_213 = arith.cmpi sge, %add3A_208, %ge3A : i32
      %and3A_214 = arith.andi %eq3A_212, %ge3A_213 : i1
      %convert_element_type3A = arith.extui %and3A_214 : i1 to i32
      %cond3A = arith.constant 0 : i32
      %cond3A_215 = arith.cmpi ne, %convert_element_type3A, %cond3A : i32
      scf.if %cond3A_215 {
        %dma_wait3A_248 = arith.constant 0 : i32
        %dma_wait3A_249 = arith.constant 1 : i32
        %dma_wait3A_250 = arith.constant 0 : i32
        %dma_wait3A_251 = arith.constant 0 : i32
        %dma_wait3A_252 = arith.constant 0 : i32
        %dma_wait3A_253 = arith.constant 0 : i32
        %dma_wait3A_254 = tpu.memref_slice %arg9[%dma_wait3A_249, %dma_wait3A_250, %dma_wait3A_251, %dma_wait3A_252, %dma_wait3A_253] : memref<2x4x4x8x129xf32, #tpu.memory_space<vmem>> -> memref<1x4x4x8x129xf32, #tpu.memory_space<vmem>>
        %dma_wait3A_255 = tpu.memref_squeeze %dma_wait3A_254 : memref<1x4x4x8x129xf32, #tpu.memory_space<vmem>> -> memref<4x4x8x129xf32, #tpu.memory_space<vmem>>
        %dma_wait3A_256 = arith.constant 0 : i32
        %dma_wait3A_257 = arith.constant 0 : i32
        %dma_wait3A_258 = arith.constant 0 : i32
        %dma_wait3A_259 = arith.constant 0 : i32
        %dma_wait3A_260 = tpu.memref_slice %dma_wait3A_255[%dma_wait3A_256, %dma_wait3A_257, %dma_wait3A_258, %dma_wait3A_259] : memref<4x4x8x129xf32, #tpu.memory_space<vmem>> -> memref<4x4x8x128xf32, #tpu.memory_space<vmem>>
        %dma_wait3A_261 = arith.constant 0 : i32
        %dma_wait3A_262 = arith.constant 0 : i32
        %dma_wait3A_263 = arith.constant 0 : i32
        %dma_wait3A_264 = arith.constant 0 : i32
        %dma_wait3A_265 = tpu.memref_slice %arg5[%dma_wait3A_248, %dma_wait3A_261, %dma_wait3A_262, %dma_wait3A_263, %dma_wait3A_264] : memref<200x4x32x8x128xf32, #tpu.memory_space<hbm>> -> memref<1x4x4x8x128xf32, #tpu.memory_space<hbm>>
        %dma_wait3A_266 = tpu.memref_squeeze %dma_wait3A_265 : memref<1x4x4x8x128xf32, #tpu.memory_space<hbm>> -> memref<4x4x8x128xf32, #tpu.memory_space<hbm>>
        %dma_wait3A_267 = arith.constant 0 : i32
        %dma_wait3A_268 = arith.constant 0 : i32
        %dma_wait3A_269 = arith.constant 0 : i32
        %dma_wait3A_270 = arith.constant 0 : i32
        %dma_wait3A_271 = tpu.memref_slice %arg9[%dma_wait3A_249, %dma_wait3A_267, %dma_wait3A_268, %dma_wait3A_269, %dma_wait3A_270] : memref<2x4x4x8x129xf32, #tpu.memory_space<vmem>> -> memref<1x4x4x8x129xf32, #tpu.memory_space<vmem>>
        %dma_wait3A_272 = tpu.memref_squeeze %dma_wait3A_271 : memref<1x4x4x8x129xf32, #tpu.memory_space<vmem>> -> memref<4x4x8x129xf32, #tpu.memory_space<vmem>>
        %dma_wait3A_273 = arith.constant 0 : i32
        %dma_wait3A_274 = arith.constant 0 : i32
        %dma_wait3A_275 = arith.constant 0 : i32
        %dma_wait3A_276 = arith.constant 0 : i32
        %dma_wait3A_277 = tpu.memref_slice %dma_wait3A_272[%dma_wait3A_273, %dma_wait3A_274, %dma_wait3A_275, %dma_wait3A_276] : memref<4x4x8x129xf32, #tpu.memory_space<vmem>> -> memref<4x4x8x128xf32, #tpu.memory_space<vmem>>
        %dma_wait3A_278 = arith.constant 0 : i32
        %dma_wait3A_279 = arith.constant 0 : i32
        %dma_wait3A_280 = arith.constant 0 : i32
        %dma_wait3A_281 = arith.constant 0 : i32
        %dma_wait3A_282 = tpu.memref_slice %arg5[%dma_wait3A_248, %dma_wait3A_278, %dma_wait3A_279, %dma_wait3A_280, %dma_wait3A_281] : memref<200x4x32x8x128xf32, #tpu.memory_space<hbm>> -> memref<1x4x4x8x128xf32, #tpu.memory_space<hbm>>
        %dma_wait3A_283 = tpu.memref_squeeze %dma_wait3A_282 : memref<1x4x4x8x128xf32, #tpu.memory_space<hbm>> -> memref<4x4x8x128xf32, #tpu.memory_space<hbm>>
        tpu.wait_dma2 semaphore(%arg13 : memref<!tpu.dma_semaphore, #tpu.memory_space<semaphore_mem>>) src(%dma_wait3A_283 : memref<4x4x8x128xf32, #tpu.memory_space<hbm>>) dst(%dma_wait3A_277 : memref<4x4x8x128xf32, #tpu.memory_space<vmem>>)
      } else {
      }
      %add3A_216 = arith.constant 1 : i32
      %add3A_217 = arith.addi %add3A_208, %add3A_216 : i32
      %lt3A_218 = arith.constant 50 : i32
      %lt3A_219 = arith.cmpi slt, %add3A_217, %lt3A_218 : i32
      %and3A_220 = arith.andi %eq3A_212, %lt3A_219 : i1
      %convert_element_type3A_221 = arith.extui %and3A_220 : i1 to i32
      %cond3A_222 = arith.constant 0 : i32
      %cond3A_223 = arith.cmpi ne, %convert_element_type3A_221, %cond3A_222 : i32
      scf.if %cond3A_223 {
        %add3A_248 = arith.constant 1 : i32
        %add3A_249 = arith.addi %add3A_208, %add3A_248 : i32
        %add3A_250 = arith.addi %mul3A_11, %add3A_249 : i32
        %shift_right_arithmetic3A_251 = arith.constant 3 : i32
        %shift_right_arithmetic3A_252 = arith.shrsi %add3A_250, %shift_right_arithmetic3A_251 : i32
        %and3A_253 = arith.constant 7 : i32
        %and3A_254 = arith.andi %add3A_250, %and3A_253 : i32
        %eq3A_255 = arith.constant 0 : i32
        %eq3A_256 = arith.cmpi eq, %and3A_254, %eq3A_255 : i32
        %convert_element_type3A_257 = arith.extui %eq3A_256 : i1 to i32
        %cond3A_258 = arith.constant 0 : i32
        %cond3A_259 = arith.cmpi ne, %convert_element_type3A_257, %cond3A_258 : i32
        scf.if %cond3A_259 {
          %add3A_387 = arith.constant 1 : i32
          %add3A_388 = arith.addi %add3A_208, %add3A_387 : i32
          %add3A_389 = arith.addi %mul3A_11, %add3A_388 : i32
          %shift_right_arithmetic3A_390 = arith.constant 3 : i32
          %shift_right_arithmetic3A_391 = arith.shrsi %add3A_389, %shift_right_arithmetic3A_390 : i32
          %and3A_392 = arith.constant 7 : i32
          %and3A_393 = arith.andi %add3A_389, %and3A_392 : i32
          "tpu.region"() ({
            %run_scoped3A = tpu.sem_alloc : memref<!tpu.dma_semaphore, #tpu.memory_space<semaphore_mem>>
            %dma_start3A_394 = arith.constant 0 : i32
            %dma_start3A_395 = arith.constant 0 : i32
            %dma_start3A_396 = tpu.memref_slice %arg2[%shift_right_arithmetic3A_391, %mul3A_34, %dma_start3A_394, %dma_start3A_395] : memref<25x32x8x128xi32, #tpu.memory_space<hbm>> -> memref<1x4x8x128xi32, #tpu.memory_space<hbm>>
            %dma_start3A_397 = tpu.memref_squeeze %dma_start3A_396 : memref<1x4x8x128xi32, #tpu.memory_space<hbm>> -> memref<4x8x128xi32, #tpu.memory_space<hbm>>
            %dma_start3A_398 = arith.constant 0 : i32
            %dma_start3A_399 = arith.constant 0 : i32
            %dma_start3A_400 = tpu.memref_slice %arg2[%shift_right_arithmetic3A_391, %mul3A_34, %dma_start3A_398, %dma_start3A_399] : memref<25x32x8x128xi32, #tpu.memory_space<hbm>> -> memref<1x4x8x128xi32, #tpu.memory_space<hbm>>
            %dma_start3A_401 = tpu.memref_squeeze %dma_start3A_400 : memref<1x4x8x128xi32, #tpu.memory_space<hbm>> -> memref<4x8x128xi32, #tpu.memory_space<hbm>>
            tpu.enqueue_dma source(%dma_start3A_401 : memref<4x8x128xi32, #tpu.memory_space<hbm>>) target(%arg6 : memref<4x8x128xi32, #tpu.memory_space<vmem>>) target_semaphore(%run_scoped3A : memref<!tpu.dma_semaphore, #tpu.memory_space<semaphore_mem>>)
            %dma_wait3A_402 = arith.constant 0 : i32
            %dma_wait3A_403 = arith.constant 0 : i32
            %dma_wait3A_404 = tpu.memref_slice %arg2[%shift_right_arithmetic3A_391, %mul3A_34, %dma_wait3A_402, %dma_wait3A_403] : memref<25x32x8x128xi32, #tpu.memory_space<hbm>> -> memref<1x4x8x128xi32, #tpu.memory_space<hbm>>
            %dma_wait3A_405 = tpu.memref_squeeze %dma_wait3A_404 : memref<1x4x8x128xi32, #tpu.memory_space<hbm>> -> memref<4x8x128xi32, #tpu.memory_space<hbm>>
            %dma_wait3A_406 = arith.constant 0 : i32
            %dma_wait3A_407 = arith.constant 0 : i32
            %dma_wait3A_408 = tpu.memref_slice %arg2[%shift_right_arithmetic3A_391, %mul3A_34, %dma_wait3A_406, %dma_wait3A_407] : memref<25x32x8x128xi32, #tpu.memory_space<hbm>> -> memref<1x4x8x128xi32, #tpu.memory_space<hbm>>
            %dma_wait3A_409 = tpu.memref_squeeze %dma_wait3A_408 : memref<1x4x8x128xi32, #tpu.memory_space<hbm>> -> memref<4x8x128xi32, #tpu.memory_space<hbm>>
            tpu.wait_dma2 semaphore(%run_scoped3A : memref<!tpu.dma_semaphore, #tpu.memory_space<semaphore_mem>>) src(%dma_wait3A_409 : memref<4x8x128xi32, #tpu.memory_space<hbm>>) dst(%arg6 : memref<4x8x128xi32, #tpu.memory_space<vmem>>)
            tpu.yield
          }) : () -> ()
        } else {
        }
        %add3A_260 = arith.constant 1 : i32
        %add3A_261 = arith.addi %add3A_208, %add3A_260 : i32
        %add3A_262 = arith.addi %mul3A_11, %add3A_261 : i32
        %shift_right_arithmetic3A_263 = arith.constant 3 : i32
        %shift_right_arithmetic3A_264 = arith.shrsi %add3A_262, %shift_right_arithmetic3A_263 : i32
        %and3A_265 = arith.constant 7 : i32
        %and3A_266 = arith.andi %add3A_262, %and3A_265 : i32
        %dma_start3A_267 = arith.constant 0 : i32
        %dma_start3A_268 = arith.constant 1 : i32
        %dma_start3A_269 = arith.constant 0 : i32
        %dma_start3A_270 = arith.constant 0 : i32
        %dma_start3A_271 = tpu.memref_slice %arg7[%dma_start3A_268, %dma_start3A_269, %dma_start3A_270] : memref<2x512x32xf32, #tpu.memory_space<vmem>> -> memref<1x512x32xf32, #tpu.memory_space<vmem>>
        %dma_start3A_272 = tpu.memref_squeeze %dma_start3A_271 : memref<1x512x32xf32, #tpu.memory_space<vmem>> -> memref<512x32xf32, #tpu.memory_space<vmem>>
        %dma_start3A_273 = arith.constant 0 : i32
        %dma_start3A_274 = arith.constant 0 : i32
        %dma_start3A_275 = tpu.memref_slice %dma_start3A_272[%dma_start3A_273, %dma_start3A_274] : memref<512x32xf32, #tpu.memory_space<vmem>> -> memref<128x32xf32, #tpu.memory_space<vmem>>
        %dma_start3A_276 = arith.constant 0 : i32
        %dma_start3A_277 = tpu.memref_slice %arg6[%dma_start3A_267, %and3A_266, %dma_start3A_276] : memref<4x8x128xi32, #tpu.memory_space<vmem>> -> memref<1x1x128xi32, #tpu.memory_space<vmem>>
        %dma_start3A_278 = tpu.memref_squeeze %dma_start3A_277 : memref<1x1x128xi32, #tpu.memory_space<vmem>> -> memref<128xi32, #tpu.memory_space<vmem>>
        %dma_start3A_279 = arith.constant 0 : i32
        %dma_start3A_280 = arith.constant 0 : i32
        %dma_start3A_281 = tpu.memref_slice %arg3[%dma_start3A_279, %dma_start3A_280] : memref<1000000x32xf32, #tpu.memory_space<hbm>> -> memref<1000000x32xf32, #tpu.memory_space<hbm>>
        tpu.enqueue_indirect_dma source(%dma_start3A_281 : memref<1000000x32xf32, #tpu.memory_space<hbm>>) target(%dma_start3A_275 : memref<128x32xf32, #tpu.memory_space<vmem>>) offsets(%dma_start3A_278 : memref<128xi32, #tpu.memory_space<vmem>>) semaphore(%arg11 : memref<!tpu.dma_semaphore, #tpu.memory_space<semaphore_mem>>)
        %dma_start3A_282 = arith.constant 0 : i32
        %dma_start3A_283 = arith.constant 1 : i32
        %dma_start3A_284 = arith.constant 0 : i32
        %dma_start3A_285 = arith.constant 0 : i32
        %dma_start3A_286 = tpu.memref_slice %arg8[%dma_start3A_283, %dma_start3A_284, %dma_start3A_285] : memref<2x512x32xf32, #tpu.memory_space<vmem>> -> memref<1x512x32xf32, #tpu.memory_space<vmem>>
        %dma_start3A_287 = tpu.memref_squeeze %dma_start3A_286 : memref<1x512x32xf32, #tpu.memory_space<vmem>> -> memref<512x32xf32, #tpu.memory_space<vmem>>
        %dma_start3A_288 = arith.constant 0 : i32
        %dma_start3A_289 = arith.constant 0 : i32
        %dma_start3A_290 = tpu.memref_slice %dma_start3A_287[%dma_start3A_288, %dma_start3A_289] : memref<512x32xf32, #tpu.memory_space<vmem>> -> memref<128x32xf32, #tpu.memory_space<vmem>>
        %dma_start3A_291 = arith.constant 0 : i32
        %dma_start3A_292 = tpu.memref_slice %arg6[%dma_start3A_282, %and3A_266, %dma_start3A_291] : memref<4x8x128xi32, #tpu.memory_space<vmem>> -> memref<1x1x128xi32, #tpu.memory_space<vmem>>
        %dma_start3A_293 = tpu.memref_squeeze %dma_start3A_292 : memref<1x1x128xi32, #tpu.memory_space<vmem>> -> memref<128xi32, #tpu.memory_space<vmem>>
        %dma_start3A_294 = arith.constant 0 : i32
        %dma_start3A_295 = arith.constant 0 : i32
        %dma_start3A_296 = tpu.memref_slice %arg4[%dma_start3A_294, %dma_start3A_295] : memref<1000000x32xf32, #tpu.memory_space<hbm>> -> memref<1000000x32xf32, #tpu.memory_space<hbm>>
        tpu.enqueue_indirect_dma source(%dma_start3A_296 : memref<1000000x32xf32, #tpu.memory_space<hbm>>) target(%dma_start3A_290 : memref<128x32xf32, #tpu.memory_space<vmem>>) offsets(%dma_start3A_293 : memref<128xi32, #tpu.memory_space<vmem>>) semaphore(%arg11 : memref<!tpu.dma_semaphore, #tpu.memory_space<semaphore_mem>>)
        %dma_start3A_297 = arith.constant 1 : i32
        %dma_start3A_298 = arith.constant 1 : i32
        %dma_start3A_299 = arith.constant 0 : i32
        %dma_start3A_300 = arith.constant 0 : i32
        %dma_start3A_301 = tpu.memref_slice %arg7[%dma_start3A_298, %dma_start3A_299, %dma_start3A_300] : memref<2x512x32xf32, #tpu.memory_space<vmem>> -> memref<1x512x32xf32, #tpu.memory_space<vmem>>
        %dma_start3A_302 = tpu.memref_squeeze %dma_start3A_301 : memref<1x512x32xf32, #tpu.memory_space<vmem>> -> memref<512x32xf32, #tpu.memory_space<vmem>>
        %dma_start3A_303 = arith.constant 128 : i32
        %dma_start3A_304 = arith.constant 0 : i32
        %dma_start3A_305 = tpu.memref_slice %dma_start3A_302[%dma_start3A_303, %dma_start3A_304] : memref<512x32xf32, #tpu.memory_space<vmem>> -> memref<128x32xf32, #tpu.memory_space<vmem>>
        %dma_start3A_306 = arith.constant 0 : i32
        %dma_start3A_307 = tpu.memref_slice %arg6[%dma_start3A_297, %and3A_266, %dma_start3A_306] : memref<4x8x128xi32, #tpu.memory_space<vmem>> -> memref<1x1x128xi32, #tpu.memory_space<vmem>>
        %dma_start3A_308 = tpu.memref_squeeze %dma_start3A_307 : memref<1x1x128xi32, #tpu.memory_space<vmem>> -> memref<128xi32, #tpu.memory_space<vmem>>
        %dma_start3A_309 = arith.constant 0 : i32
        %dma_start3A_310 = arith.constant 0 : i32
        %dma_start3A_311 = tpu.memref_slice %arg3[%dma_start3A_309, %dma_start3A_310] : memref<1000000x32xf32, #tpu.memory_space<hbm>> -> memref<1000000x32xf32, #tpu.memory_space<hbm>>
        tpu.enqueue_indirect_dma source(%dma_start3A_311 : memref<1000000x32xf32, #tpu.memory_space<hbm>>) target(%dma_start3A_305 : memref<128x32xf32, #tpu.memory_space<vmem>>) offsets(%dma_start3A_308 : memref<128xi32, #tpu.memory_space<vmem>>) semaphore(%arg11 : memref<!tpu.dma_semaphore, #tpu.memory_space<semaphore_mem>>)
        %dma_start3A_312 = arith.constant 1 : i32
        %dma_start3A_313 = arith.constant 1 : i32
        %dma_start3A_314 = arith.constant 0 : i32
        %dma_start3A_315 = arith.constant 0 : i32
        %dma_start3A_316 = tpu.memref_slice %arg8[%dma_start3A_313, %dma_start3A_314, %dma_start3A_315] : memref<2x512x32xf32, #tpu.memory_space<vmem>> -> memref<1x512x32xf32, #tpu.memory_space<vmem>>
        %dma_start3A_317 = tpu.memref_squeeze %dma_start3A_316 : memref<1x512x32xf32, #tpu.memory_space<vmem>> -> memref<512x32xf32, #tpu.memory_space<vmem>>
        %dma_start3A_318 = arith.constant 128 : i32
        %dma_start3A_319 = arith.constant 0 : i32
        %dma_start3A_320 = tpu.memref_slice %dma_start3A_317[%dma_start3A_318, %dma_start3A_319] : memref<512x32xf32, #tpu.memory_space<vmem>> -> memref<128x32xf32, #tpu.memory_space<vmem>>
        %dma_start3A_321 = arith.constant 0 : i32
        %dma_start3A_322 = tpu.memref_slice %arg6[%dma_start3A_312, %and3A_266, %dma_start3A_321] : memref<4x8x128xi32, #tpu.memory_space<vmem>> -> memref<1x1x128xi32, #tpu.memory_space<vmem>>
        %dma_start3A_323 = tpu.memref_squeeze %dma_start3A_322 : memref<1x1x128xi32, #tpu.memory_space<vmem>> -> memref<128xi32, #tpu.memory_space<vmem>>
        %dma_start3A_324 = arith.constant 0 : i32
        %dma_start3A_325 = arith.constant 0 : i32
        %dma_start3A_326 = tpu.memref_slice %arg4[%dma_start3A_324, %dma_start3A_325] : memref<1000000x32xf32, #tpu.memory_space<hbm>> -> memref<1000000x32xf32, #tpu.memory_space<hbm>>
        tpu.enqueue_indirect_dma source(%dma_start3A_326 : memref<1000000x32xf32, #tpu.memory_space<hbm>>) target(%dma_start3A_320 : memref<128x32xf32, #tpu.memory_space<vmem>>) offsets(%dma_start3A_323 : memref<128xi32, #tpu.memory_space<vmem>>) semaphore(%arg11 : memref<!tpu.dma_semaphore, #tpu.memory_space<semaphore_mem>>)
        %dma_start3A_327 = arith.constant 2 : i32
        %dma_start3A_328 = arith.constant 1 : i32
        %dma_start3A_329 = arith.constant 0 : i32
        %dma_start3A_330 = arith.constant 0 : i32
        %dma_start3A_331 = tpu.memref_slice %arg7[%dma_start3A_328, %dma_start3A_329, %dma_start3A_330] : memref<2x512x32xf32, #tpu.memory_space<vmem>> -> memref<1x512x32xf32, #tpu.memory_space<vmem>>
        %dma_start3A_332 = tpu.memref_squeeze %dma_start3A_331 : memref<1x512x32xf32, #tpu.memory_space<vmem>> -> memref<512x32xf32, #tpu.memory_space<vmem>>
        %dma_start3A_333 = arith.constant 256 : i32
        %dma_start3A_334 = arith.constant 0 : i32
        %dma_start3A_335 = tpu.memref_slice %dma_start3A_332[%dma_start3A_333, %dma_start3A_334] : memref<512x32xf32, #tpu.memory_space<vmem>> -> memref<128x32xf32, #tpu.memory_space<vmem>>
        %dma_start3A_336 = arith.constant 0 : i32
        %dma_start3A_337 = tpu.memref_slice %arg6[%dma_start3A_327, %and3A_266, %dma_start3A_336] : memref<4x8x128xi32, #tpu.memory_space<vmem>> -> memref<1x1x128xi32, #tpu.memory_space<vmem>>
        %dma_start3A_338 = tpu.memref_squeeze %dma_start3A_337 : memref<1x1x128xi32, #tpu.memory_space<vmem>> -> memref<128xi32, #tpu.memory_space<vmem>>
        %dma_start3A_339 = arith.constant 0 : i32
        %dma_start3A_340 = arith.constant 0 : i32
        %dma_start3A_341 = tpu.memref_slice %arg3[%dma_start3A_339, %dma_start3A_340] : memref<1000000x32xf32, #tpu.memory_space<hbm>> -> memref<1000000x32xf32, #tpu.memory_space<hbm>>
        tpu.enqueue_indirect_dma source(%dma_start3A_341 : memref<1000000x32xf32, #tpu.memory_space<hbm>>) target(%dma_start3A_335 : memref<128x32xf32, #tpu.memory_space<vmem>>) offsets(%dma_start3A_338 : memref<128xi32, #tpu.memory_space<vmem>>) semaphore(%arg11 : memref<!tpu.dma_semaphore, #tpu.memory_space<semaphore_mem>>)
        %dma_start3A_342 = arith.constant 2 : i32
        %dma_start3A_343 = arith.constant 1 : i32
        %dma_start3A_344 = arith.constant 0 : i32
        %dma_start3A_345 = arith.constant 0 : i32
        %dma_start3A_346 = tpu.memref_slice %arg8[%dma_start3A_343, %dma_start3A_344, %dma_start3A_345] : memref<2x512x32xf32, #tpu.memory_space<vmem>> -> memref<1x512x32xf32, #tpu.memory_space<vmem>>
        %dma_start3A_347 = tpu.memref_squeeze %dma_start3A_346 : memref<1x512x32xf32, #tpu.memory_space<vmem>> -> memref<512x32xf32, #tpu.memory_space<vmem>>
        %dma_start3A_348 = arith.constant 256 : i32
        %dma_start3A_349 = arith.constant 0 : i32
        %dma_start3A_350 = tpu.memref_slice %dma_start3A_347[%dma_start3A_348, %dma_start3A_349] : memref<512x32xf32, #tpu.memory_space<vmem>> -> memref<128x32xf32, #tpu.memory_space<vmem>>
        %dma_start3A_351 = arith.constant 0 : i32
        %dma_start3A_352 = tpu.memref_slice %arg6[%dma_start3A_342, %and3A_266, %dma_start3A_351] : memref<4x8x128xi32, #tpu.memory_space<vmem>> -> memref<1x1x128xi32, #tpu.memory_space<vmem>>
        %dma_start3A_353 = tpu.memref_squeeze %dma_start3A_352 : memref<1x1x128xi32, #tpu.memory_space<vmem>> -> memref<128xi32, #tpu.memory_space<vmem>>
        %dma_start3A_354 = arith.constant 0 : i32
        %dma_start3A_355 = arith.constant 0 : i32
        %dma_start3A_356 = tpu.memref_slice %arg4[%dma_start3A_354, %dma_start3A_355] : memref<1000000x32xf32, #tpu.memory_space<hbm>> -> memref<1000000x32xf32, #tpu.memory_space<hbm>>
        tpu.enqueue_indirect_dma source(%dma_start3A_356 : memref<1000000x32xf32, #tpu.memory_space<hbm>>) target(%dma_start3A_350 : memref<128x32xf32, #tpu.memory_space<vmem>>) offsets(%dma_start3A_353 : memref<128xi32, #tpu.memory_space<vmem>>) semaphore(%arg11 : memref<!tpu.dma_semaphore, #tpu.memory_space<semaphore_mem>>)
        %dma_start3A_357 = arith.constant 3 : i32
        %dma_start3A_358 = arith.constant 1 : i32
        %dma_start3A_359 = arith.constant 0 : i32
        %dma_start3A_360 = arith.constant 0 : i32
        %dma_start3A_361 = tpu.memref_slice %arg7[%dma_start3A_358, %dma_start3A_359, %dma_start3A_360] : memref<2x512x32xf32, #tpu.memory_space<vmem>> -> memref<1x512x32xf32, #tpu.memory_space<vmem>>
        %dma_start3A_362 = tpu.memref_squeeze %dma_start3A_361 : memref<1x512x32xf32, #tpu.memory_space<vmem>> -> memref<512x32xf32, #tpu.memory_space<vmem>>
        %dma_start3A_363 = arith.constant 384 : i32
        %dma_start3A_364 = arith.constant 0 : i32
        %dma_start3A_365 = tpu.memref_slice %dma_start3A_362[%dma_start3A_363, %dma_start3A_364] : memref<512x32xf32, #tpu.memory_space<vmem>> -> memref<128x32xf32, #tpu.memory_space<vmem>>
        %dma_start3A_366 = arith.constant 0 : i32
        %dma_start3A_367 = tpu.memref_slice %arg6[%dma_start3A_357, %and3A_266, %dma_start3A_366] : memref<4x8x128xi32, #tpu.memory_space<vmem>> -> memref<1x1x128xi32, #tpu.memory_space<vmem>>
        %dma_start3A_368 = tpu.memref_squeeze %dma_start3A_367 : memref<1x1x128xi32, #tpu.memory_space<vmem>> -> memref<128xi32, #tpu.memory_space<vmem>>
        %dma_start3A_369 = arith.constant 0 : i32
        %dma_start3A_370 = arith.constant 0 : i32
        %dma_start3A_371 = tpu.memref_slice %arg3[%dma_start3A_369, %dma_start3A_370] : memref<1000000x32xf32, #tpu.memory_space<hbm>> -> memref<1000000x32xf32, #tpu.memory_space<hbm>>
        tpu.enqueue_indirect_dma source(%dma_start3A_371 : memref<1000000x32xf32, #tpu.memory_space<hbm>>) target(%dma_start3A_365 : memref<128x32xf32, #tpu.memory_space<vmem>>) offsets(%dma_start3A_368 : memref<128xi32, #tpu.memory_space<vmem>>) semaphore(%arg11 : memref<!tpu.dma_semaphore, #tpu.memory_space<semaphore_mem>>)
        %dma_start3A_372 = arith.constant 3 : i32
        %dma_start3A_373 = arith.constant 1 : i32
        %dma_start3A_374 = arith.constant 0 : i32
        %dma_start3A_375 = arith.constant 0 : i32
        %dma_start3A_376 = tpu.memref_slice %arg8[%dma_start3A_373, %dma_start3A_374, %dma_start3A_375] : memref<2x512x32xf32, #tpu.memory_space<vmem>> -> memref<1x512x32xf32, #tpu.memory_space<vmem>>
        %dma_start3A_377 = tpu.memref_squeeze %dma_start3A_376 : memref<1x512x32xf32, #tpu.memory_space<vmem>> -> memref<512x32xf32, #tpu.memory_space<vmem>>
        %dma_start3A_378 = arith.constant 384 : i32
        %dma_start3A_379 = arith.constant 0 : i32
        %dma_start3A_380 = tpu.memref_slice %dma_start3A_377[%dma_start3A_378, %dma_start3A_379] : memref<512x32xf32, #tpu.memory_space<vmem>> -> memref<128x32xf32, #tpu.memory_space<vmem>>
        %dma_start3A_381 = arith.constant 0 : i32
        %dma_start3A_382 = tpu.memref_slice %arg6[%dma_start3A_372, %and3A_266, %dma_start3A_381] : memref<4x8x128xi32, #tpu.memory_space<vmem>> -> memref<1x1x128xi32, #tpu.memory_space<vmem>>
        %dma_start3A_383 = tpu.memref_squeeze %dma_start3A_382 : memref<1x1x128xi32, #tpu.memory_space<vmem>> -> memref<128xi32, #tpu.memory_space<vmem>>
        %dma_start3A_384 = arith.constant 0 : i32
        %dma_start3A_385 = arith.constant 0 : i32
        %dma_start3A_386 = tpu.memref_slice %arg4[%dma_start3A_384, %dma_start3A_385] : memref<1000000x32xf32, #tpu.memory_space<hbm>> -> memref<1000000x32xf32, #tpu.memory_space<hbm>>
        tpu.enqueue_indirect_dma source(%dma_start3A_386 : memref<1000000x32xf32, #tpu.memory_space<hbm>>) target(%dma_start3A_380 : memref<128x32xf32, #tpu.memory_space<vmem>>) offsets(%dma_start3A_383 : memref<128xi32, #tpu.memory_space<vmem>>) semaphore(%arg11 : memref<!tpu.dma_semaphore, #tpu.memory_space<semaphore_mem>>)
      } else {
      }
      %convert_element_type3A_224 = arith.extui %eq3A_212 : i1 to i32
      %cond3A_225 = arith.constant 0 : i32
      %cond3A_226 = arith.cmpi ne, %convert_element_type3A_224, %cond3A_225 : i32
      scf.if %cond3A_226 {
        %dma_wait3A_248 = arith.constant 0 : i32
        %dma_wait3A_249 = arith.constant 0 : i32
        %dma_wait3A_250 = arith.constant 0 : i32
        %dma_wait3A_251 = tpu.memref_slice %arg7[%dma_wait3A_248, %dma_wait3A_249, %dma_wait3A_250] : memref<2x512x32xf32, #tpu.memory_space<vmem>> -> memref<1x512x32xf32, #tpu.memory_space<vmem>>
        %dma_wait3A_252 = tpu.memref_squeeze %dma_wait3A_251 : memref<1x512x32xf32, #tpu.memory_space<vmem>> -> memref<512x32xf32, #tpu.memory_space<vmem>>
        %dma_wait3A_253 = arith.constant 0 : i32
        %dma_wait3A_254 = arith.constant 0 : i32
        %dma_wait3A_255 = tpu.memref_slice %arg3[%dma_wait3A_253, %dma_wait3A_254] : memref<1000000x32xf32, #tpu.memory_space<hbm>> -> memref<512x32xf32, #tpu.memory_space<hbm>>
        %dma_wait3A_256 = arith.constant 0 : i32
        %dma_wait3A_257 = arith.constant 0 : i32
        %dma_wait3A_258 = tpu.memref_slice %arg7[%dma_wait3A_248, %dma_wait3A_256, %dma_wait3A_257] : memref<2x512x32xf32, #tpu.memory_space<vmem>> -> memref<1x512x32xf32, #tpu.memory_space<vmem>>
        %dma_wait3A_259 = tpu.memref_squeeze %dma_wait3A_258 : memref<1x512x32xf32, #tpu.memory_space<vmem>> -> memref<512x32xf32, #tpu.memory_space<vmem>>
        %dma_wait3A_260 = arith.constant 0 : i32
        %dma_wait3A_261 = arith.constant 0 : i32
        %dma_wait3A_262 = tpu.memref_slice %arg3[%dma_wait3A_260, %dma_wait3A_261] : memref<1000000x32xf32, #tpu.memory_space<hbm>> -> memref<512x32xf32, #tpu.memory_space<hbm>>
        tpu.wait_dma2 semaphore(%arg10 : memref<!tpu.dma_semaphore, #tpu.memory_space<semaphore_mem>>) src(%dma_wait3A_262 : memref<512x32xf32, #tpu.memory_space<hbm>>) dst(%dma_wait3A_259 : memref<512x32xf32, #tpu.memory_space<vmem>>)
        %dma_wait3A_263 = arith.constant 0 : i32
        %dma_wait3A_264 = arith.constant 0 : i32
        %dma_wait3A_265 = arith.constant 0 : i32
        %dma_wait3A_266 = tpu.memref_slice %arg8[%dma_wait3A_263, %dma_wait3A_264, %dma_wait3A_265] : memref<2x512x32xf32, #tpu.memory_space<vmem>> -> memref<1x512x32xf32, #tpu.memory_space<vmem>>
        %dma_wait3A_267 = tpu.memref_squeeze %dma_wait3A_266 : memref<1x512x32xf32, #tpu.memory_space<vmem>> -> memref<512x32xf32, #tpu.memory_space<vmem>>
        %dma_wait3A_268 = arith.constant 0 : i32
        %dma_wait3A_269 = arith.constant 0 : i32
        %dma_wait3A_270 = tpu.memref_slice %arg4[%dma_wait3A_268, %dma_wait3A_269] : memref<1000000x32xf32, #tpu.memory_space<hbm>> -> memref<512x32xf32, #tpu.memory_space<hbm>>
        %dma_wait3A_271 = arith.constant 0 : i32
        %dma_wait3A_272 = arith.constant 0 : i32
        %dma_wait3A_273 = tpu.memref_slice %arg8[%dma_wait3A_263, %dma_wait3A_271, %dma_wait3A_272] : memref<2x512x32xf32, #tpu.memory_space<vmem>> -> memref<1x512x32xf32, #tpu.memory_space<vmem>>
        %dma_wait3A_274 = tpu.memref_squeeze %dma_wait3A_273 : memref<1x512x32xf32, #tpu.memory_space<vmem>> -> memref<512x32xf32, #tpu.memory_space<vmem>>
        %dma_wait3A_275 = arith.constant 0 : i32
        %dma_wait3A_276 = arith.constant 0 : i32
        %dma_wait3A_277 = tpu.memref_slice %arg4[%dma_wait3A_275, %dma_wait3A_276] : memref<1000000x32xf32, #tpu.memory_space<hbm>> -> memref<512x32xf32, #tpu.memory_space<hbm>>
        tpu.wait_dma2 semaphore(%arg10 : memref<!tpu.dma_semaphore, #tpu.memory_space<semaphore_mem>>) src(%dma_wait3A_277 : memref<512x32xf32, #tpu.memory_space<hbm>>) dst(%dma_wait3A_274 : memref<512x32xf32, #tpu.memory_space<vmem>>)
        %add3A_278 = arith.constant 0 : i32
        %add3A_279 = vector.broadcast %add3A_278 : i32 to vector<16xi32>
        %add3A_280 = arith.addi %add3A_279, %iota3A : vector<16xi32>
        %shift_right_arithmetic3A_281 = arith.constant 3 : i32
        %shift_right_arithmetic3A_282 = vector.broadcast %shift_right_arithmetic3A_281 : i32 to vector<16xi32>
        %shift_right_arithmetic3A_283 = arith.shrsi %add3A_280, %shift_right_arithmetic3A_282 : vector<16xi32>
        %and3A_284 = arith.constant 7 : i32
        %and3A_285 = vector.broadcast %and3A_284 : i32 to vector<16xi32>
        %and3A_286 = arith.andi %add3A_280, %and3A_285 : vector<16xi32>
        %add3A_287 = arith.constant 16 : i32
        %add3A_288 = vector.broadcast %add3A_287 : i32 to vector<16xi32>
        %add3A_289 = arith.addi %add3A_288, %iota3A : vector<16xi32>
        %shift_right_arithmetic3A_290 = arith.constant 3 : i32
        %shift_right_arithmetic3A_291 = vector.broadcast %shift_right_arithmetic3A_290 : i32 to vector<16xi32>
        %shift_right_arithmetic3A_292 = arith.shrsi %add3A_289, %shift_right_arithmetic3A_291 : vector<16xi32>
        %and3A_293 = arith.constant 7 : i32
        %and3A_294 = vector.broadcast %and3A_293 : i32 to vector<16xi32>
        %and3A_295 = arith.andi %add3A_289, %and3A_294 : vector<16xi32>
        %parallel_loop3A = arith.constant 0 : i32
        %parallel_loop3A_296 = arith.constant 512 : i32
        %parallel_loop3A_297 = arith.constant 1 : i32
        %parallel_loop3A_298 = arith.constant 0 : i32
        %parallel_loop3A_299 = arith.constant 0 : i32
        %parallel_loop3A_300 = arith.constant 0 : i32
        scf.for %parallel_loop3A_339 = %parallel_loop3A to %parallel_loop3A_296 step %parallel_loop3A_297  : i32 {
          %parallel_loop3A_340 = arith.constant 7 : i32
          %parallel_loop3A_341 = arith.shrsi %parallel_loop3A_339, %parallel_loop3A_340 : i32
          %parallel_loop3A_342 = vector.broadcast %parallel_loop3A_341 : i32 to vector<16xi32>
          %parallel_loop3A_343 = arith.constant 127 : i32
          %parallel_loop3A_344 = arith.andi %parallel_loop3A_339, %parallel_loop3A_343 : i32
          %parallel_loop3A_345 = vector.broadcast %parallel_loop3A_344 : i32 to vector<16xi32>
          %parallel_loop3A_346 = arith.constant 0 : i32
          %parallel_loop3A_347 = arith.constant 0 : i32
          %parallel_loop3A_348 = tpu.memref_slice %arg7[%parallel_loop3A_298, %parallel_loop3A_346, %parallel_loop3A_347] : memref<2x512x32xf32, #tpu.memory_space<vmem>> -> memref<1x512x32xf32, #tpu.memory_space<vmem>>
          %parallel_loop3A_349 = tpu.memref_squeeze %parallel_loop3A_348 : memref<1x512x32xf32, #tpu.memory_space<vmem>> -> memref<512x32xf32, #tpu.memory_space<vmem>>
          %parallel_loop3A_350 = arith.index_cast %parallel_loop3A_339 : i32 to index
          %parallel_loop3A_351 = arith.constant 0 : index
          %parallel_loop3A_352 = tpu.vector_load %parallel_loop3A_349[%parallel_loop3A_350, %parallel_loop3A_351] {strides = array<i32>} : memref<512x32xf32, #tpu.memory_space<vmem>>, vector<16xf32>,
          %parallel_loop3A_353 = arith.constant 0 : i32
          %parallel_loop3A_354 = arith.constant 0 : i32
          %parallel_loop3A_355 = tpu.memref_slice %arg8[%parallel_loop3A_299, %parallel_loop3A_353, %parallel_loop3A_354] : memref<2x512x32xf32, #tpu.memory_space<vmem>> -> memref<1x512x32xf32, #tpu.memory_space<vmem>>
          %parallel_loop3A_356 = tpu.memref_squeeze %parallel_loop3A_355 : memref<1x512x32xf32, #tpu.memory_space<vmem>> -> memref<512x32xf32, #tpu.memory_space<vmem>>
          %parallel_loop3A_357 = arith.index_cast %parallel_loop3A_339 : i32 to index
          %parallel_loop3A_358 = arith.constant 0 : index
          %parallel_loop3A_359 = tpu.vector_load %parallel_loop3A_356[%parallel_loop3A_357, %parallel_loop3A_358] {strides = array<i32>} : memref<512x32xf32, #tpu.memory_space<vmem>>, vector<16xf32>,
          %parallel_loop3A_360 = arith.addf %parallel_loop3A_352, %parallel_loop3A_359 : vector<16xf32>
          %parallel_loop3A_361 = arith.constant 0 : i32
          %parallel_loop3A_362 = arith.constant 0 : i32
          %parallel_loop3A_363 = arith.constant 0 : i32
          %parallel_loop3A_364 = arith.constant 0 : i32
          %parallel_loop3A_365 = tpu.memref_slice %arg9[%parallel_loop3A_300, %parallel_loop3A_361, %parallel_loop3A_362, %parallel_loop3A_363, %parallel_loop3A_364] : memref<2x4x4x8x129xf32, #tpu.memory_space<vmem>> -> memref<1x4x4x8x129xf32, #tpu.memory_space<vmem>>
          %parallel_loop3A_366 = tpu.memref_squeeze %parallel_loop3A_365 : memref<1x4x4x8x129xf32, #tpu.memory_space<vmem>> -> memref<4x4x8x129xf32, #tpu.memory_space<vmem>>
          tpu.vector_store_idx %parallel_loop3A_366[%shift_right_arithmetic3A_283, %parallel_loop3A_342, %and3A_286, %parallel_loop3A_345], %parallel_loop3A_360 : memref<4x4x8x129xf32, #tpu.memory_space<vmem>>[vector<16xi32>, vector<16xi32>, vector<16xi32>, vector<16xi32>], vector<16xf32>,
          %parallel_loop3A_367 = arith.constant 0 : i32
          %parallel_loop3A_368 = arith.constant 0 : i32
          %parallel_loop3A_369 = tpu.memref_slice %arg7[%parallel_loop3A_298, %parallel_loop3A_367, %parallel_loop3A_368] : memref<2x512x32xf32, #tpu.memory_space<vmem>> -> memref<1x512x32xf32, #tpu.memory_space<vmem>>
          %parallel_loop3A_370 = tpu.memref_squeeze %parallel_loop3A_369 : memref<1x512x32xf32, #tpu.memory_space<vmem>> -> memref<512x32xf32, #tpu.memory_space<vmem>>
          %parallel_loop3A_371 = arith.index_cast %parallel_loop3A_339 : i32 to index
          %parallel_loop3A_372 = arith.constant 16 : index
          %parallel_loop3A_373 = tpu.vector_load %parallel_loop3A_370[%parallel_loop3A_371, %parallel_loop3A_372] {strides = array<i32>} : memref<512x32xf32, #tpu.memory_space<vmem>>, vector<16xf32>,
          %parallel_loop3A_374 = arith.constant 0 : i32
          %parallel_loop3A_375 = arith.constant 0 : i32
          %parallel_loop3A_376 = tpu.memref_slice %arg8[%parallel_loop3A_299, %parallel_loop3A_374, %parallel_loop3A_375] : memref<2x512x32xf32, #tpu.memory_space<vmem>> -> memref<1x512x32xf32, #tpu.memory_space<vmem>>
          %parallel_loop3A_377 = tpu.memref_squeeze %parallel_loop3A_376 : memref<1x512x32xf32, #tpu.memory_space<vmem>> -> memref<512x32xf32, #tpu.memory_space<vmem>>
          %parallel_loop3A_378 = arith.index_cast %parallel_loop3A_339 : i32 to index
          %parallel_loop3A_379 = arith.constant 16 : index
          %parallel_loop3A_380 = tpu.vector_load %parallel_loop3A_377[%parallel_loop3A_378, %parallel_loop3A_379] {strides = array<i32>} : memref<512x32xf32, #tpu.memory_space<vmem>>, vector<16xf32>,
          %parallel_loop3A_381 = arith.addf %parallel_loop3A_373, %parallel_loop3A_380 : vector<16xf32>
          %parallel_loop3A_382 = arith.constant 0 : i32
          %parallel_loop3A_383 = arith.constant 0 : i32
          %parallel_loop3A_384 = arith.constant 0 : i32
          %parallel_loop3A_385 = arith.constant 0 : i32
          %parallel_loop3A_386 = tpu.memref_slice %arg9[%parallel_loop3A_300, %parallel_loop3A_382, %parallel_loop3A_383, %parallel_loop3A_384, %parallel_loop3A_385] : memref<2x4x4x8x129xf32, #tpu.memory_space<vmem>> -> memref<1x4x4x8x129xf32, #tpu.memory_space<vmem>>
          %parallel_loop3A_387 = tpu.memref_squeeze %parallel_loop3A_386 : memref<1x4x4x8x129xf32, #tpu.memory_space<vmem>> -> memref<4x4x8x129xf32, #tpu.memory_space<vmem>>
          tpu.vector_store_idx %parallel_loop3A_387[%shift_right_arithmetic3A_292, %parallel_loop3A_342, %and3A_295, %parallel_loop3A_345], %parallel_loop3A_381 : memref<4x4x8x129xf32, #tpu.memory_space<vmem>>[vector<16xi32>, vector<16xi32>, vector<16xi32>, vector<16xi32>], vector<16xf32>,
        } {sc.loop_unroll_factor = 4 : i64, sc.parallel_access}
        %add3A_301 = arith.addi %mul3A_11, %add3A_208 : i32
        %shift_right_arithmetic3A_302 = arith.constant 3 : i32
        %shift_right_arithmetic3A_303 = arith.shrsi %add3A_301, %shift_right_arithmetic3A_302 : i32
        %and3A_304 = arith.constant 7 : i32
        %and3A_305 = arith.andi %add3A_301, %and3A_304 : i32
        %dma_start3A_306 = arith.constant 0 : i32
        %dma_start3A_307 = arith.constant 0 : i32
        %dma_start3A_308 = arith.constant 0 : i32
        %dma_start3A_309 = arith.constant 0 : i32
        %dma_start3A_310 = arith.constant 0 : i32
        %dma_start3A_311 = tpu.memref_slice %arg9[%dma_start3A_306, %dma_start3A_307, %dma_start3A_308, %dma_start3A_309, %dma_start3A_310] : memref<2x4x4x8x129xf32, #tpu.memory_space<vmem>> -> memref<1x4x4x8x129xf32, #tpu.memory_space<vmem>>
        %dma_start3A_312 = tpu.memref_squeeze %dma_start3A_311 : memref<1x4x4x8x129xf32, #tpu.memory_space<vmem>> -> memref<4x4x8x129xf32, #tpu.memory_space<vmem>>
        %dma_start3A_313 = arith.constant 0 : i32
        %dma_start3A_314 = arith.constant 0 : i32
        %dma_start3A_315 = arith.constant 0 : i32
        %dma_start3A_316 = arith.constant 0 : i32
        %dma_start3A_317 = tpu.memref_slice %dma_start3A_312[%dma_start3A_313, %dma_start3A_314, %dma_start3A_315, %dma_start3A_316] : memref<4x4x8x129xf32, #tpu.memory_space<vmem>> -> memref<4x4x8x128xf32, #tpu.memory_space<vmem>>
        %dma_start3A_318 = arith.constant 0 : i32
        %dma_start3A_319 = arith.constant 0 : i32
        %dma_start3A_320 = arith.constant 0 : i32
        %dma_start3A_321 = tpu.memref_slice %arg5[%add3A_301, %dma_start3A_318, %mul3A_34, %dma_start3A_319, %dma_start3A_320] : memref<200x4x32x8x128xf32, #tpu.memory_space<hbm>> -> memref<1x4x4x8x128xf32, #tpu.memory_space<hbm>>
        %dma_start3A_322 = tpu.memref_squeeze %dma_start3A_321 : memref<1x4x4x8x128xf32, #tpu.memory_space<hbm>> -> memref<4x4x8x128xf32, #tpu.memory_space<hbm>>
        %dma_start3A_323 = arith.constant 0 : i32
        %dma_start3A_324 = arith.constant 0 : i32
        %dma_start3A_325 = arith.constant 0 : i32
        %dma_start3A_326 = tpu.memref_slice %arg5[%add3A_301, %dma_start3A_323, %mul3A_34, %dma_start3A_324, %dma_start3A_325] : memref<200x4x32x8x128xf32, #tpu.memory_space<hbm>> -> memref<1x4x4x8x128xf32, #tpu.memory_space<hbm>>
        %dma_start3A_327 = tpu.memref_squeeze %dma_start3A_326 : memref<1x4x4x8x128xf32, #tpu.memory_space<hbm>> -> memref<4x4x8x128xf32, #tpu.memory_space<hbm>>
        %dma_start3A_328 = arith.constant 0 : i32
        %dma_start3A_329 = arith.constant 0 : i32
        %dma_start3A_330 = arith.constant 0 : i32
        %dma_start3A_331 = arith.constant 0 : i32
        %dma_start3A_332 = tpu.memref_slice %arg9[%dma_start3A_306, %dma_start3A_328, %dma_start3A_329, %dma_start3A_330, %dma_start3A_331] : memref<2x4x4x8x129xf32, #tpu.memory_space<vmem>> -> memref<1x4x4x8x129xf32, #tpu.memory_space<vmem>>
        %dma_start3A_333 = tpu.memref_squeeze %dma_start3A_332 : memref<1x4x4x8x129xf32, #tpu.memory_space<vmem>> -> memref<4x4x8x129xf32, #tpu.memory_space<vmem>>
        %dma_start3A_334 = arith.constant 0 : i32
        %dma_start3A_335 = arith.constant 0 : i32
        %dma_start3A_336 = arith.constant 0 : i32
        %dma_start3A_337 = arith.constant 0 : i32
        %dma_start3A_338 = tpu.memref_slice %dma_start3A_333[%dma_start3A_334, %dma_start3A_335, %dma_start3A_336, %dma_start3A_337] : memref<4x4x8x129xf32, #tpu.memory_space<vmem>> -> memref<4x4x8x128xf32, #tpu.memory_space<vmem>>
        tpu.enqueue_dma source(%dma_start3A_338 : memref<4x4x8x128xf32, #tpu.memory_space<vmem>>) target(%dma_start3A_327 : memref<4x4x8x128xf32, #tpu.memory_space<hbm>>) target_semaphore(%arg12 : memref<!tpu.dma_semaphore, #tpu.memory_space<semaphore_mem>>)
      } else {
      }
      %and3A_227 = arith.constant 1 : i32
      %and3A_228 = arith.andi %add3A_208, %and3A_227 : i32
      %eq3A_229 = arith.constant 1 : i32
      %eq3A_230 = arith.cmpi eq, %and3A_228, %eq3A_229 : i32
      %ge3A_231 = arith.constant 1 : i32
      %ge3A_232 = arith.cmpi sge, %add3A_208, %ge3A_231 : i32
      %and3A_233 = arith.andi %eq3A_230, %ge3A_232 : i1
      %convert_element_type3A_234 = arith.extui %and3A_233 : i1 to i32
      %cond3A_235 = arith.constant 0 : i32
      %cond3A_236 = arith.cmpi ne, %convert_element_type3A_234, %cond3A_235 : i32
      scf.if %cond3A_236 {
        %dma_wait3A_248 = arith.constant 0 : i32
        %dma_wait3A_249 = arith.constant 0 : i32
        %dma_wait3A_250 = arith.constant 0 : i32
        %dma_wait3A_251 = arith.constant 0 : i32
        %dma_wait3A_252 = arith.constant 0 : i32
        %dma_wait3A_253 = arith.constant 0 : i32
        %dma_wait3A_254 = tpu.memref_slice %arg9[%dma_wait3A_249, %dma_wait3A_250, %dma_wait3A_251, %dma_wait3A_252, %dma_wait3A_253] : memref<2x4x4x8x129xf32, #tpu.memory_space<vmem>> -> memref<1x4x4x8x129xf32, #tpu.memory_space<vmem>>
        %dma_wait3A_255 = tpu.memref_squeeze %dma_wait3A_254 : memref<1x4x4x8x129xf32, #tpu.memory_space<vmem>> -> memref<4x4x8x129xf32, #tpu.memory_space<vmem>>
        %dma_wait3A_256 = arith.constant 0 : i32
        %dma_wait3A_257 = arith.constant 0 : i32
        %dma_wait3A_258 = arith.constant 0 : i32
        %dma_wait3A_259 = arith.constant 0 : i32
        %dma_wait3A_260 = tpu.memref_slice %dma_wait3A_255[%dma_wait3A_256, %dma_wait3A_257, %dma_wait3A_258, %dma_wait3A_259] : memref<4x4x8x129xf32, #tpu.memory_space<vmem>> -> memref<4x4x8x128xf32, #tpu.memory_space<vmem>>
        %dma_wait3A_261 = arith.constant 0 : i32
        %dma_wait3A_262 = arith.constant 0 : i32
        %dma_wait3A_263 = arith.constant 0 : i32
        %dma_wait3A_264 = arith.constant 0 : i32
        %dma_wait3A_265 = tpu.memref_slice %arg5[%dma_wait3A_248, %dma_wait3A_261, %dma_wait3A_262, %dma_wait3A_263, %dma_wait3A_264] : memref<200x4x32x8x128xf32, #tpu.memory_space<hbm>> -> memref<1x4x4x8x128xf32, #tpu.memory_space<hbm>>
        %dma_wait3A_266 = tpu.memref_squeeze %dma_wait3A_265 : memref<1x4x4x8x128xf32, #tpu.memory_space<hbm>> -> memref<4x4x8x128xf32, #tpu.memory_space<hbm>>
        %dma_wait3A_267 = arith.constant 0 : i32
        %dma_wait3A_268 = arith.constant 0 : i32
        %dma_wait3A_269 = arith.constant 0 : i32
        %dma_wait3A_270 = arith.constant 0 : i32
        %dma_wait3A_271 = tpu.memref_slice %arg9[%dma_wait3A_249, %dma_wait3A_267, %dma_wait3A_268, %dma_wait3A_269, %dma_wait3A_270] : memref<2x4x4x8x129xf32, #tpu.memory_space<vmem>> -> memref<1x4x4x8x129xf32, #tpu.memory_space<vmem>>
        %dma_wait3A_272 = tpu.memref_squeeze %dma_wait3A_271 : memref<1x4x4x8x129xf32, #tpu.memory_space<vmem>> -> memref<4x4x8x129xf32, #tpu.memory_space<vmem>>
        %dma_wait3A_273 = arith.constant 0 : i32
        %dma_wait3A_274 = arith.constant 0 : i32
        %dma_wait3A_275 = arith.constant 0 : i32
        %dma_wait3A_276 = arith.constant 0 : i32
        %dma_wait3A_277 = tpu.memref_slice %dma_wait3A_272[%dma_wait3A_273, %dma_wait3A_274, %dma_wait3A_275, %dma_wait3A_276] : memref<4x4x8x129xf32, #tpu.memory_space<vmem>> -> memref<4x4x8x128xf32, #tpu.memory_space<vmem>>
        %dma_wait3A_278 = arith.constant 0 : i32
        %dma_wait3A_279 = arith.constant 0 : i32
        %dma_wait3A_280 = arith.constant 0 : i32
        %dma_wait3A_281 = arith.constant 0 : i32
        %dma_wait3A_282 = tpu.memref_slice %arg5[%dma_wait3A_248, %dma_wait3A_278, %dma_wait3A_279, %dma_wait3A_280, %dma_wait3A_281] : memref<200x4x32x8x128xf32, #tpu.memory_space<hbm>> -> memref<1x4x4x8x128xf32, #tpu.memory_space<hbm>>
        %dma_wait3A_283 = tpu.memref_squeeze %dma_wait3A_282 : memref<1x4x4x8x128xf32, #tpu.memory_space<hbm>> -> memref<4x4x8x128xf32, #tpu.memory_space<hbm>>
        tpu.wait_dma2 semaphore(%arg12 : memref<!tpu.dma_semaphore, #tpu.memory_space<semaphore_mem>>) src(%dma_wait3A_283 : memref<4x4x8x128xf32, #tpu.memory_space<hbm>>) dst(%dma_wait3A_277 : memref<4x4x8x128xf32, #tpu.memory_space<vmem>>)
      } else {
      }
      %add3A_237 = arith.constant 1 : i32
      %add3A_238 = arith.addi %add3A_208, %add3A_237 : i32
      %lt3A_239 = arith.constant 50 : i32
      %lt3A_240 = arith.cmpi slt, %add3A_238, %lt3A_239 : i32
      %and3A_241 = arith.andi %eq3A_230, %lt3A_240 : i1
      %convert_element_type3A_242 = arith.extui %and3A_241 : i1 to i32
      %cond3A_243 = arith.constant 0 : i32
      %cond3A_244 = arith.cmpi ne, %convert_element_type3A_242, %cond3A_243 : i32
      scf.if %cond3A_244 {
        %add3A_248 = arith.constant 1 : i32
        %add3A_249 = arith.addi %add3A_208, %add3A_248 : i32
        %add3A_250 = arith.addi %mul3A_11, %add3A_249 : i32
        %shift_right_arithmetic3A_251 = arith.constant 3 : i32
        %shift_right_arithmetic3A_252 = arith.shrsi %add3A_250, %shift_right_arithmetic3A_251 : i32
        %and3A_253 = arith.constant 7 : i32
        %and3A_254 = arith.andi %add3A_250, %and3A_253 : i32
        %eq3A_255 = arith.constant 0 : i32
        %eq3A_256 = arith.cmpi eq, %and3A_254, %eq3A_255 : i32
        %convert_element_type3A_257 = arith.extui %eq3A_256 : i1 to i32
        %cond3A_258 = arith.constant 0 : i32
        %cond3A_259 = arith.cmpi ne, %convert_element_type3A_257, %cond3A_258 : i32
        scf.if %cond3A_259 {
          %add3A_387 = arith.constant 1 : i32
          %add3A_388 = arith.addi %add3A_208, %add3A_387 : i32
          %add3A_389 = arith.addi %mul3A_11, %add3A_388 : i32
          %shift_right_arithmetic3A_390 = arith.constant 3 : i32
          %shift_right_arithmetic3A_391 = arith.shrsi %add3A_389, %shift_right_arithmetic3A_390 : i32
          %and3A_392 = arith.constant 7 : i32
          %and3A_393 = arith.andi %add3A_389, %and3A_392 : i32
          "tpu.region"() ({
            %run_scoped3A = tpu.sem_alloc : memref<!tpu.dma_semaphore, #tpu.memory_space<semaphore_mem>>
            %dma_start3A_394 = arith.constant 0 : i32
            %dma_start3A_395 = arith.constant 0 : i32
            %dma_start3A_396 = tpu.memref_slice %arg2[%shift_right_arithmetic3A_391, %mul3A_34, %dma_start3A_394, %dma_start3A_395] : memref<25x32x8x128xi32, #tpu.memory_space<hbm>> -> memref<1x4x8x128xi32, #tpu.memory_space<hbm>>
            %dma_start3A_397 = tpu.memref_squeeze %dma_start3A_396 : memref<1x4x8x128xi32, #tpu.memory_space<hbm>> -> memref<4x8x128xi32, #tpu.memory_space<hbm>>
            %dma_start3A_398 = arith.constant 0 : i32
            %dma_start3A_399 = arith.constant 0 : i32
            %dma_start3A_400 = tpu.memref_slice %arg2[%shift_right_arithmetic3A_391, %mul3A_34, %dma_start3A_398, %dma_start3A_399] : memref<25x32x8x128xi32, #tpu.memory_space<hbm>> -> memref<1x4x8x128xi32, #tpu.memory_space<hbm>>
            %dma_start3A_401 = tpu.memref_squeeze %dma_start3A_400 : memref<1x4x8x128xi32, #tpu.memory_space<hbm>> -> memref<4x8x128xi32, #tpu.memory_space<hbm>>
            tpu.enqueue_dma source(%dma_start3A_401 : memref<4x8x128xi32, #tpu.memory_space<hbm>>) target(%arg6 : memref<4x8x128xi32, #tpu.memory_space<vmem>>) target_semaphore(%run_scoped3A : memref<!tpu.dma_semaphore, #tpu.memory_space<semaphore_mem>>)
            %dma_wait3A_402 = arith.constant 0 : i32
            %dma_wait3A_403 = arith.constant 0 : i32
            %dma_wait3A_404 = tpu.memref_slice %arg2[%shift_right_arithmetic3A_391, %mul3A_34, %dma_wait3A_402, %dma_wait3A_403] : memref<25x32x8x128xi32, #tpu.memory_space<hbm>> -> memref<1x4x8x128xi32, #tpu.memory_space<hbm>>
            %dma_wait3A_405 = tpu.memref_squeeze %dma_wait3A_404 : memref<1x4x8x128xi32, #tpu.memory_space<hbm>> -> memref<4x8x128xi32, #tpu.memory_space<hbm>>
            %dma_wait3A_406 = arith.constant 0 : i32
            %dma_wait3A_407 = arith.constant 0 : i32
            %dma_wait3A_408 = tpu.memref_slice %arg2[%shift_right_arithmetic3A_391, %mul3A_34, %dma_wait3A_406, %dma_wait3A_407] : memref<25x32x8x128xi32, #tpu.memory_space<hbm>> -> memref<1x4x8x128xi32, #tpu.memory_space<hbm>>
            %dma_wait3A_409 = tpu.memref_squeeze %dma_wait3A_408 : memref<1x4x8x128xi32, #tpu.memory_space<hbm>> -> memref<4x8x128xi32, #tpu.memory_space<hbm>>
            tpu.wait_dma2 semaphore(%run_scoped3A : memref<!tpu.dma_semaphore, #tpu.memory_space<semaphore_mem>>) src(%dma_wait3A_409 : memref<4x8x128xi32, #tpu.memory_space<hbm>>) dst(%arg6 : memref<4x8x128xi32, #tpu.memory_space<vmem>>)
            tpu.yield
          }) : () -> ()
        } else {
        }
        %add3A_260 = arith.constant 1 : i32
        %add3A_261 = arith.addi %add3A_208, %add3A_260 : i32
        %add3A_262 = arith.addi %mul3A_11, %add3A_261 : i32
        %shift_right_arithmetic3A_263 = arith.constant 3 : i32
        %shift_right_arithmetic3A_264 = arith.shrsi %add3A_262, %shift_right_arithmetic3A_263 : i32
        %and3A_265 = arith.constant 7 : i32
        %and3A_266 = arith.andi %add3A_262, %and3A_265 : i32
        %dma_start3A_267 = arith.constant 0 : i32
        %dma_start3A_268 = arith.constant 0 : i32
        %dma_start3A_269 = arith.constant 0 : i32
        %dma_start3A_270 = arith.constant 0 : i32
        %dma_start3A_271 = tpu.memref_slice %arg7[%dma_start3A_268, %dma_start3A_269, %dma_start3A_270] : memref<2x512x32xf32, #tpu.memory_space<vmem>> -> memref<1x512x32xf32, #tpu.memory_space<vmem>>
        %dma_start3A_272 = tpu.memref_squeeze %dma_start3A_271 : memref<1x512x32xf32, #tpu.memory_space<vmem>> -> memref<512x32xf32, #tpu.memory_space<vmem>>
        %dma_start3A_273 = arith.constant 0 : i32
        %dma_start3A_274 = arith.constant 0 : i32
        %dma_start3A_275 = tpu.memref_slice %dma_start3A_272[%dma_start3A_273, %dma_start3A_274] : memref<512x32xf32, #tpu.memory_space<vmem>> -> memref<128x32xf32, #tpu.memory_space<vmem>>
        %dma_start3A_276 = arith.constant 0 : i32
        %dma_start3A_277 = tpu.memref_slice %arg6[%dma_start3A_267, %and3A_266, %dma_start3A_276] : memref<4x8x128xi32, #tpu.memory_space<vmem>> -> memref<1x1x128xi32, #tpu.memory_space<vmem>>
        %dma_start3A_278 = tpu.memref_squeeze %dma_start3A_277 : memref<1x1x128xi32, #tpu.memory_space<vmem>> -> memref<128xi32, #tpu.memory_space<vmem>>
        %dma_start3A_279 = arith.constant 0 : i32
        %dma_start3A_280 = arith.constant 0 : i32
        %dma_start3A_281 = tpu.memref_slice %arg3[%dma_start3A_279, %dma_start3A_280] : memref<1000000x32xf32, #tpu.memory_space<hbm>> -> memref<1000000x32xf32, #tpu.memory_space<hbm>>
        tpu.enqueue_indirect_dma source(%dma_start3A_281 : memref<1000000x32xf32, #tpu.memory_space<hbm>>) target(%dma_start3A_275 : memref<128x32xf32, #tpu.memory_space<vmem>>) offsets(%dma_start3A_278 : memref<128xi32, #tpu.memory_space<vmem>>) semaphore(%arg10 : memref<!tpu.dma_semaphore, #tpu.memory_space<semaphore_mem>>)
        %dma_start3A_282 = arith.constant 0 : i32
        %dma_start3A_283 = arith.constant 0 : i32
        %dma_start3A_284 = arith.constant 0 : i32
        %dma_start3A_285 = arith.constant 0 : i32
        %dma_start3A_286 = tpu.memref_slice %arg8[%dma_start3A_283, %dma_start3A_284, %dma_start3A_285] : memref<2x512x32xf32, #tpu.memory_space<vmem>> -> memref<1x512x32xf32, #tpu.memory_space<vmem>>
        %dma_start3A_287 = tpu.memref_squeeze %dma_start3A_286 : memref<1x512x32xf32, #tpu.memory_space<vmem>> -> memref<512x32xf32, #tpu.memory_space<vmem>>
        %dma_start3A_288 = arith.constant 0 : i32
        %dma_start3A_289 = arith.constant 0 : i32
        %dma_start3A_290 = tpu.memref_slice %dma_start3A_287[%dma_start3A_288, %dma_start3A_289] : memref<512x32xf32, #tpu.memory_space<vmem>> -> memref<128x32xf32, #tpu.memory_space<vmem>>
        %dma_start3A_291 = arith.constant 0 : i32
        %dma_start3A_292 = tpu.memref_slice %arg6[%dma_start3A_282, %and3A_266, %dma_start3A_291] : memref<4x8x128xi32, #tpu.memory_space<vmem>> -> memref<1x1x128xi32, #tpu.memory_space<vmem>>
        %dma_start3A_293 = tpu.memref_squeeze %dma_start3A_292 : memref<1x1x128xi32, #tpu.memory_space<vmem>> -> memref<128xi32, #tpu.memory_space<vmem>>
        %dma_start3A_294 = arith.constant 0 : i32
        %dma_start3A_295 = arith.constant 0 : i32
        %dma_start3A_296 = tpu.memref_slice %arg4[%dma_start3A_294, %dma_start3A_295] : memref<1000000x32xf32, #tpu.memory_space<hbm>> -> memref<1000000x32xf32, #tpu.memory_space<hbm>>
        tpu.enqueue_indirect_dma source(%dma_start3A_296 : memref<1000000x32xf32, #tpu.memory_space<hbm>>) target(%dma_start3A_290 : memref<128x32xf32, #tpu.memory_space<vmem>>) offsets(%dma_start3A_293 : memref<128xi32, #tpu.memory_space<vmem>>) semaphore(%arg10 : memref<!tpu.dma_semaphore, #tpu.memory_space<semaphore_mem>>)
        %dma_start3A_297 = arith.constant 1 : i32
        %dma_start3A_298 = arith.constant 0 : i32
        %dma_start3A_299 = arith.constant 0 : i32
        %dma_start3A_300 = arith.constant 0 : i32
        %dma_start3A_301 = tpu.memref_slice %arg7[%dma_start3A_298, %dma_start3A_299, %dma_start3A_300] : memref<2x512x32xf32, #tpu.memory_space<vmem>> -> memref<1x512x32xf32, #tpu.memory_space<vmem>>
        %dma_start3A_302 = tpu.memref_squeeze %dma_start3A_301 : memref<1x512x32xf32, #tpu.memory_space<vmem>> -> memref<512x32xf32, #tpu.memory_space<vmem>>
        %dma_start3A_303 = arith.constant 128 : i32
        %dma_start3A_304 = arith.constant 0 : i32
        %dma_start3A_305 = tpu.memref_slice %dma_start3A_302[%dma_start3A_303, %dma_start3A_304] : memref<512x32xf32, #tpu.memory_space<vmem>> -> memref<128x32xf32, #tpu.memory_space<vmem>>
        %dma_start3A_306 = arith.constant 0 : i32
        %dma_start3A_307 = tpu.memref_slice %arg6[%dma_start3A_297, %and3A_266, %dma_start3A_306] : memref<4x8x128xi32, #tpu.memory_space<vmem>> -> memref<1x1x128xi32, #tpu.memory_space<vmem>>
        %dma_start3A_308 = tpu.memref_squeeze %dma_start3A_307 : memref<1x1x128xi32, #tpu.memory_space<vmem>> -> memref<128xi32, #tpu.memory_space<vmem>>
        %dma_start3A_309 = arith.constant 0 : i32
        %dma_start3A_310 = arith.constant 0 : i32
        %dma_start3A_311 = tpu.memref_slice %arg3[%dma_start3A_309, %dma_start3A_310] : memref<1000000x32xf32, #tpu.memory_space<hbm>> -> memref<1000000x32xf32, #tpu.memory_space<hbm>>
        tpu.enqueue_indirect_dma source(%dma_start3A_311 : memref<1000000x32xf32, #tpu.memory_space<hbm>>) target(%dma_start3A_305 : memref<128x32xf32, #tpu.memory_space<vmem>>) offsets(%dma_start3A_308 : memref<128xi32, #tpu.memory_space<vmem>>) semaphore(%arg10 : memref<!tpu.dma_semaphore, #tpu.memory_space<semaphore_mem>>)
        %dma_start3A_312 = arith.constant 1 : i32
        %dma_start3A_313 = arith.constant 0 : i32
        %dma_start3A_314 = arith.constant 0 : i32
        %dma_start3A_315 = arith.constant 0 : i32
        %dma_start3A_316 = tpu.memref_slice %arg8[%dma_start3A_313, %dma_start3A_314, %dma_start3A_315] : memref<2x512x32xf32, #tpu.memory_space<vmem>> -> memref<1x512x32xf32, #tpu.memory_space<vmem>>
        %dma_start3A_317 = tpu.memref_squeeze %dma_start3A_316 : memref<1x512x32xf32, #tpu.memory_space<vmem>> -> memref<512x32xf32, #tpu.memory_space<vmem>>
        %dma_start3A_318 = arith.constant 128 : i32
        %dma_start3A_319 = arith.constant 0 : i32
        %dma_start3A_320 = tpu.memref_slice %dma_start3A_317[%dma_start3A_318, %dma_start3A_319] : memref<512x32xf32, #tpu.memory_space<vmem>> -> memref<128x32xf32, #tpu.memory_space<vmem>>
        %dma_start3A_321 = arith.constant 0 : i32
        %dma_start3A_322 = tpu.memref_slice %arg6[%dma_start3A_312, %and3A_266, %dma_start3A_321] : memref<4x8x128xi32, #tpu.memory_space<vmem>> -> memref<1x1x128xi32, #tpu.memory_space<vmem>>
        %dma_start3A_323 = tpu.memref_squeeze %dma_start3A_322 : memref<1x1x128xi32, #tpu.memory_space<vmem>> -> memref<128xi32, #tpu.memory_space<vmem>>
        %dma_start3A_324 = arith.constant 0 : i32
        %dma_start3A_325 = arith.constant 0 : i32
        %dma_start3A_326 = tpu.memref_slice %arg4[%dma_start3A_324, %dma_start3A_325] : memref<1000000x32xf32, #tpu.memory_space<hbm>> -> memref<1000000x32xf32, #tpu.memory_space<hbm>>
        tpu.enqueue_indirect_dma source(%dma_start3A_326 : memref<1000000x32xf32, #tpu.memory_space<hbm>>) target(%dma_start3A_320 : memref<128x32xf32, #tpu.memory_space<vmem>>) offsets(%dma_start3A_323 : memref<128xi32, #tpu.memory_space<vmem>>) semaphore(%arg10 : memref<!tpu.dma_semaphore, #tpu.memory_space<semaphore_mem>>)
        %dma_start3A_327 = arith.constant 2 : i32
        %dma_start3A_328 = arith.constant 0 : i32
        %dma_start3A_329 = arith.constant 0 : i32
        %dma_start3A_330 = arith.constant 0 : i32
        %dma_start3A_331 = tpu.memref_slice %arg7[%dma_start3A_328, %dma_start3A_329, %dma_start3A_330] : memref<2x512x32xf32, #tpu.memory_space<vmem>> -> memref<1x512x32xf32, #tpu.memory_space<vmem>>
        %dma_start3A_332 = tpu.memref_squeeze %dma_start3A_331 : memref<1x512x32xf32, #tpu.memory_space<vmem>> -> memref<512x32xf32, #tpu.memory_space<vmem>>
        %dma_start3A_333 = arith.constant 256 : i32
        %dma_start3A_334 = arith.constant 0 : i32
        %dma_start3A_335 = tpu.memref_slice %dma_start3A_332[%dma_start3A_333, %dma_start3A_334] : memref<512x32xf32, #tpu.memory_space<vmem>> -> memref<128x32xf32, #tpu.memory_space<vmem>>
        %dma_start3A_336 = arith.constant 0 : i32
        %dma_start3A_337 = tpu.memref_slice %arg6[%dma_start3A_327, %and3A_266, %dma_start3A_336] : memref<4x8x128xi32, #tpu.memory_space<vmem>> -> memref<1x1x128xi32, #tpu.memory_space<vmem>>
        %dma_start3A_338 = tpu.memref_squeeze %dma_start3A_337 : memref<1x1x128xi32, #tpu.memory_space<vmem>> -> memref<128xi32, #tpu.memory_space<vmem>>
        %dma_start3A_339 = arith.constant 0 : i32
        %dma_start3A_340 = arith.constant 0 : i32
        %dma_start3A_341 = tpu.memref_slice %arg3[%dma_start3A_339, %dma_start3A_340] : memref<1000000x32xf32, #tpu.memory_space<hbm>> -> memref<1000000x32xf32, #tpu.memory_space<hbm>>
        tpu.enqueue_indirect_dma source(%dma_start3A_341 : memref<1000000x32xf32, #tpu.memory_space<hbm>>) target(%dma_start3A_335 : memref<128x32xf32, #tpu.memory_space<vmem>>) offsets(%dma_start3A_338 : memref<128xi32, #tpu.memory_space<vmem>>) semaphore(%arg10 : memref<!tpu.dma_semaphore, #tpu.memory_space<semaphore_mem>>)
        %dma_start3A_342 = arith.constant 2 : i32
        %dma_start3A_343 = arith.constant 0 : i32
        %dma_start3A_344 = arith.constant 0 : i32
        %dma_start3A_345 = arith.constant 0 : i32
        %dma_start3A_346 = tpu.memref_slice %arg8[%dma_start3A_343, %dma_start3A_344, %dma_start3A_345] : memref<2x512x32xf32, #tpu.memory_space<vmem>> -> memref<1x512x32xf32, #tpu.memory_space<vmem>>
        %dma_start3A_347 = tpu.memref_squeeze %dma_start3A_346 : memref<1x512x32xf32, #tpu.memory_space<vmem>> -> memref<512x32xf32, #tpu.memory_space<vmem>>
        %dma_start3A_348 = arith.constant 256 : i32
        %dma_start3A_349 = arith.constant 0 : i32
        %dma_start3A_350 = tpu.memref_slice %dma_start3A_347[%dma_start3A_348, %dma_start3A_349] : memref<512x32xf32, #tpu.memory_space<vmem>> -> memref<128x32xf32, #tpu.memory_space<vmem>>
        %dma_start3A_351 = arith.constant 0 : i32
        %dma_start3A_352 = tpu.memref_slice %arg6[%dma_start3A_342, %and3A_266, %dma_start3A_351] : memref<4x8x128xi32, #tpu.memory_space<vmem>> -> memref<1x1x128xi32, #tpu.memory_space<vmem>>
        %dma_start3A_353 = tpu.memref_squeeze %dma_start3A_352 : memref<1x1x128xi32, #tpu.memory_space<vmem>> -> memref<128xi32, #tpu.memory_space<vmem>>
        %dma_start3A_354 = arith.constant 0 : i32
        %dma_start3A_355 = arith.constant 0 : i32
        %dma_start3A_356 = tpu.memref_slice %arg4[%dma_start3A_354, %dma_start3A_355] : memref<1000000x32xf32, #tpu.memory_space<hbm>> -> memref<1000000x32xf32, #tpu.memory_space<hbm>>
        tpu.enqueue_indirect_dma source(%dma_start3A_356 : memref<1000000x32xf32, #tpu.memory_space<hbm>>) target(%dma_start3A_350 : memref<128x32xf32, #tpu.memory_space<vmem>>) offsets(%dma_start3A_353 : memref<128xi32, #tpu.memory_space<vmem>>) semaphore(%arg10 : memref<!tpu.dma_semaphore, #tpu.memory_space<semaphore_mem>>)
        %dma_start3A_357 = arith.constant 3 : i32
        %dma_start3A_358 = arith.constant 0 : i32
        %dma_start3A_359 = arith.constant 0 : i32
        %dma_start3A_360 = arith.constant 0 : i32
        %dma_start3A_361 = tpu.memref_slice %arg7[%dma_start3A_358, %dma_start3A_359, %dma_start3A_360] : memref<2x512x32xf32, #tpu.memory_space<vmem>> -> memref<1x512x32xf32, #tpu.memory_space<vmem>>
        %dma_start3A_362 = tpu.memref_squeeze %dma_start3A_361 : memref<1x512x32xf32, #tpu.memory_space<vmem>> -> memref<512x32xf32, #tpu.memory_space<vmem>>
        %dma_start3A_363 = arith.constant 384 : i32
        %dma_start3A_364 = arith.constant 0 : i32
        %dma_start3A_365 = tpu.memref_slice %dma_start3A_362[%dma_start3A_363, %dma_start3A_364] : memref<512x32xf32, #tpu.memory_space<vmem>> -> memref<128x32xf32, #tpu.memory_space<vmem>>
        %dma_start3A_366 = arith.constant 0 : i32
        %dma_start3A_367 = tpu.memref_slice %arg6[%dma_start3A_357, %and3A_266, %dma_start3A_366] : memref<4x8x128xi32, #tpu.memory_space<vmem>> -> memref<1x1x128xi32, #tpu.memory_space<vmem>>
        %dma_start3A_368 = tpu.memref_squeeze %dma_start3A_367 : memref<1x1x128xi32, #tpu.memory_space<vmem>> -> memref<128xi32, #tpu.memory_space<vmem>>
        %dma_start3A_369 = arith.constant 0 : i32
        %dma_start3A_370 = arith.constant 0 : i32
        %dma_start3A_371 = tpu.memref_slice %arg3[%dma_start3A_369, %dma_start3A_370] : memref<1000000x32xf32, #tpu.memory_space<hbm>> -> memref<1000000x32xf32, #tpu.memory_space<hbm>>
        tpu.enqueue_indirect_dma source(%dma_start3A_371 : memref<1000000x32xf32, #tpu.memory_space<hbm>>) target(%dma_start3A_365 : memref<128x32xf32, #tpu.memory_space<vmem>>) offsets(%dma_start3A_368 : memref<128xi32, #tpu.memory_space<vmem>>) semaphore(%arg10 : memref<!tpu.dma_semaphore, #tpu.memory_space<semaphore_mem>>)
        %dma_start3A_372 = arith.constant 3 : i32
        %dma_start3A_373 = arith.constant 0 : i32
        %dma_start3A_374 = arith.constant 0 : i32
        %dma_start3A_375 = arith.constant 0 : i32
        %dma_start3A_376 = tpu.memref_slice %arg8[%dma_start3A_373, %dma_start3A_374, %dma_start3A_375] : memref<2x512x32xf32, #tpu.memory_space<vmem>> -> memref<1x512x32xf32, #tpu.memory_space<vmem>>
        %dma_start3A_377 = tpu.memref_squeeze %dma_start3A_376 : memref<1x512x32xf32, #tpu.memory_space<vmem>> -> memref<512x32xf32, #tpu.memory_space<vmem>>
        %dma_start3A_378 = arith.constant 384 : i32
        %dma_start3A_379 = arith.constant 0 : i32
        %dma_start3A_380 = tpu.memref_slice %dma_start3A_377[%dma_start3A_378, %dma_start3A_379] : memref<512x32xf32, #tpu.memory_space<vmem>> -> memref<128x32xf32, #tpu.memory_space<vmem>>
        %dma_start3A_381 = arith.constant 0 : i32
        %dma_start3A_382 = tpu.memref_slice %arg6[%dma_start3A_372, %and3A_266, %dma_start3A_381] : memref<4x8x128xi32, #tpu.memory_space<vmem>> -> memref<1x1x128xi32, #tpu.memory_space<vmem>>
        %dma_start3A_383 = tpu.memref_squeeze %dma_start3A_382 : memref<1x1x128xi32, #tpu.memory_space<vmem>> -> memref<128xi32, #tpu.memory_space<vmem>>
        %dma_start3A_384 = arith.constant 0 : i32
        %dma_start3A_385 = arith.constant 0 : i32
        %dma_start3A_386 = tpu.memref_slice %arg4[%dma_start3A_384, %dma_start3A_385] : memref<1000000x32xf32, #tpu.memory_space<hbm>> -> memref<1000000x32xf32, #tpu.memory_space<hbm>>
        tpu.enqueue_indirect_dma source(%dma_start3A_386 : memref<1000000x32xf32, #tpu.memory_space<hbm>>) target(%dma_start3A_380 : memref<128x32xf32, #tpu.memory_space<vmem>>) offsets(%dma_start3A_383 : memref<128xi32, #tpu.memory_space<vmem>>) semaphore(%arg10 : memref<!tpu.dma_semaphore, #tpu.memory_space<semaphore_mem>>)
      } else {
      }
      %convert_element_type3A_245 = arith.extui %eq3A_230 : i1 to i32
      %cond3A_246 = arith.constant 0 : i32
      %cond3A_247 = arith.cmpi ne, %convert_element_type3A_245, %cond3A_246 : i32
      scf.if %cond3A_247 {
        %dma_wait3A_248 = arith.constant 1 : i32
        %dma_wait3A_249 = arith.constant 0 : i32
        %dma_wait3A_250 = arith.constant 0 : i32
        %dma_wait3A_251 = tpu.memref_slice %arg7[%dma_wait3A_248, %dma_wait3A_249, %dma_wait3A_250] : memref<2x512x32xf32, #tpu.memory_space<vmem>> -> memref<1x512x32xf32, #tpu.memory_space<vmem>>
        %dma_wait3A_252 = tpu.memref_squeeze %dma_wait3A_251 : memref<1x512x32xf32, #tpu.memory_space<vmem>> -> memref<512x32xf32, #tpu.memory_space<vmem>>
        %dma_wait3A_253 = arith.constant 0 : i32
        %dma_wait3A_254 = arith.constant 0 : i32
        %dma_wait3A_255 = tpu.memref_slice %arg3[%dma_wait3A_253, %dma_wait3A_254] : memref<1000000x32xf32, #tpu.memory_space<hbm>> -> memref<512x32xf32, #tpu.memory_space<hbm>>
        %dma_wait3A_256 = arith.constant 0 : i32
        %dma_wait3A_257 = arith.constant 0 : i32
        %dma_wait3A_258 = tpu.memref_slice %arg7[%dma_wait3A_248, %dma_wait3A_256, %dma_wait3A_257] : memref<2x512x32xf32, #tpu.memory_space<vmem>> -> memref<1x512x32xf32, #tpu.memory_space<vmem>>
        %dma_wait3A_259 = tpu.memref_squeeze %dma_wait3A_258 : memref<1x512x32xf32, #tpu.memory_space<vmem>> -> memref<512x32xf32, #tpu.memory_space<vmem>>
        %dma_wait3A_260 = arith.constant 0 : i32
        %dma_wait3A_261 = arith.constant 0 : i32
        %dma_wait3A_262 = tpu.memref_slice %arg3[%dma_wait3A_260, %dma_wait3A_261] : memref<1000000x32xf32, #tpu.memory_space<hbm>> -> memref<512x32xf32, #tpu.memory_space<hbm>>
        tpu.wait_dma2 semaphore(%arg11 : memref<!tpu.dma_semaphore, #tpu.memory_space<semaphore_mem>>) src(%dma_wait3A_262 : memref<512x32xf32, #tpu.memory_space<hbm>>) dst(%dma_wait3A_259 : memref<512x32xf32, #tpu.memory_space<vmem>>)
        %dma_wait3A_263 = arith.constant 1 : i32
        %dma_wait3A_264 = arith.constant 0 : i32
        %dma_wait3A_265 = arith.constant 0 : i32
        %dma_wait3A_266 = tpu.memref_slice %arg8[%dma_wait3A_263, %dma_wait3A_264, %dma_wait3A_265] : memref<2x512x32xf32, #tpu.memory_space<vmem>> -> memref<1x512x32xf32, #tpu.memory_space<vmem>>
        %dma_wait3A_267 = tpu.memref_squeeze %dma_wait3A_266 : memref<1x512x32xf32, #tpu.memory_space<vmem>> -> memref<512x32xf32, #tpu.memory_space<vmem>>
        %dma_wait3A_268 = arith.constant 0 : i32
        %dma_wait3A_269 = arith.constant 0 : i32
        %dma_wait3A_270 = tpu.memref_slice %arg4[%dma_wait3A_268, %dma_wait3A_269] : memref<1000000x32xf32, #tpu.memory_space<hbm>> -> memref<512x32xf32, #tpu.memory_space<hbm>>
        %dma_wait3A_271 = arith.constant 0 : i32
        %dma_wait3A_272 = arith.constant 0 : i32
        %dma_wait3A_273 = tpu.memref_slice %arg8[%dma_wait3A_263, %dma_wait3A_271, %dma_wait3A_272] : memref<2x512x32xf32, #tpu.memory_space<vmem>> -> memref<1x512x32xf32, #tpu.memory_space<vmem>>
        %dma_wait3A_274 = tpu.memref_squeeze %dma_wait3A_273 : memref<1x512x32xf32, #tpu.memory_space<vmem>> -> memref<512x32xf32, #tpu.memory_space<vmem>>
        %dma_wait3A_275 = arith.constant 0 : i32
        %dma_wait3A_276 = arith.constant 0 : i32
        %dma_wait3A_277 = tpu.memref_slice %arg4[%dma_wait3A_275, %dma_wait3A_276] : memref<1000000x32xf32, #tpu.memory_space<hbm>> -> memref<512x32xf32, #tpu.memory_space<hbm>>
        tpu.wait_dma2 semaphore(%arg11 : memref<!tpu.dma_semaphore, #tpu.memory_space<semaphore_mem>>) src(%dma_wait3A_277 : memref<512x32xf32, #tpu.memory_space<hbm>>) dst(%dma_wait3A_274 : memref<512x32xf32, #tpu.memory_space<vmem>>)
        %add3A_278 = arith.constant 0 : i32
        %add3A_279 = vector.broadcast %add3A_278 : i32 to vector<16xi32>
        %add3A_280 = arith.addi %add3A_279, %iota3A : vector<16xi32>
        %shift_right_arithmetic3A_281 = arith.constant 3 : i32
        %shift_right_arithmetic3A_282 = vector.broadcast %shift_right_arithmetic3A_281 : i32 to vector<16xi32>
        %shift_right_arithmetic3A_283 = arith.shrsi %add3A_280, %shift_right_arithmetic3A_282 : vector<16xi32>
        %and3A_284 = arith.constant 7 : i32
        %and3A_285 = vector.broadcast %and3A_284 : i32 to vector<16xi32>
        %and3A_286 = arith.andi %add3A_280, %and3A_285 : vector<16xi32>
        %add3A_287 = arith.constant 16 : i32
        %add3A_288 = vector.broadcast %add3A_287 : i32 to vector<16xi32>
        %add3A_289 = arith.addi %add3A_288, %iota3A : vector<16xi32>
        %shift_right_arithmetic3A_290 = arith.constant 3 : i32
        %shift_right_arithmetic3A_291 = vector.broadcast %shift_right_arithmetic3A_290 : i32 to vector<16xi32>
        %shift_right_arithmetic3A_292 = arith.shrsi %add3A_289, %shift_right_arithmetic3A_291 : vector<16xi32>
        %and3A_293 = arith.constant 7 : i32
        %and3A_294 = vector.broadcast %and3A_293 : i32 to vector<16xi32>
        %and3A_295 = arith.andi %add3A_289, %and3A_294 : vector<16xi32>
        %parallel_loop3A = arith.constant 0 : i32
        %parallel_loop3A_296 = arith.constant 512 : i32
        %parallel_loop3A_297 = arith.constant 1 : i32
        %parallel_loop3A_298 = arith.constant 1 : i32
        %parallel_loop3A_299 = arith.constant 1 : i32
        %parallel_loop3A_300 = arith.constant 1 : i32
        scf.for %parallel_loop3A_339 = %parallel_loop3A to %parallel_loop3A_296 step %parallel_loop3A_297  : i32 {
          %parallel_loop3A_340 = arith.constant 7 : i32
          %parallel_loop3A_341 = arith.shrsi %parallel_loop3A_339, %parallel_loop3A_340 : i32
          %parallel_loop3A_342 = vector.broadcast %parallel_loop3A_341 : i32 to vector<16xi32>
          %parallel_loop3A_343 = arith.constant 127 : i32
          %parallel_loop3A_344 = arith.andi %parallel_loop3A_339, %parallel_loop3A_343 : i32
          %parallel_loop3A_345 = vector.broadcast %parallel_loop3A_344 : i32 to vector<16xi32>
          %parallel_loop3A_346 = arith.constant 0 : i32
          %parallel_loop3A_347 = arith.constant 0 : i32
          %parallel_loop3A_348 = tpu.memref_slice %arg7[%parallel_loop3A_298, %parallel_loop3A_346, %parallel_loop3A_347] : memref<2x512x32xf32, #tpu.memory_space<vmem>> -> memref<1x512x32xf32, #tpu.memory_space<vmem>>
          %parallel_loop3A_349 = tpu.memref_squeeze %parallel_loop3A_348 : memref<1x512x32xf32, #tpu.memory_space<vmem>> -> memref<512x32xf32, #tpu.memory_space<vmem>>
          %parallel_loop3A_350 = arith.index_cast %parallel_loop3A_339 : i32 to index
          %parallel_loop3A_351 = arith.constant 0 : index
          %parallel_loop3A_352 = tpu.vector_load %parallel_loop3A_349[%parallel_loop3A_350, %parallel_loop3A_351] {strides = array<i32>} : memref<512x32xf32, #tpu.memory_space<vmem>>, vector<16xf32>,
          %parallel_loop3A_353 = arith.constant 0 : i32
          %parallel_loop3A_354 = arith.constant 0 : i32
          %parallel_loop3A_355 = tpu.memref_slice %arg8[%parallel_loop3A_299, %parallel_loop3A_353, %parallel_loop3A_354] : memref<2x512x32xf32, #tpu.memory_space<vmem>> -> memref<1x512x32xf32, #tpu.memory_space<vmem>>
          %parallel_loop3A_356 = tpu.memref_squeeze %parallel_loop3A_355 : memref<1x512x32xf32, #tpu.memory_space<vmem>> -> memref<512x32xf32, #tpu.memory_space<vmem>>
          %parallel_loop3A_357 = arith.index_cast %parallel_loop3A_339 : i32 to index
          %parallel_loop3A_358 = arith.constant 0 : index
          %parallel_loop3A_359 = tpu.vector_load %parallel_loop3A_356[%parallel_loop3A_357, %parallel_loop3A_358] {strides = array<i32>} : memref<512x32xf32, #tpu.memory_space<vmem>>, vector<16xf32>,
          %parallel_loop3A_360 = arith.addf %parallel_loop3A_352, %parallel_loop3A_359 : vector<16xf32>
          %parallel_loop3A_361 = arith.constant 0 : i32
          %parallel_loop3A_362 = arith.constant 0 : i32
          %parallel_loop3A_363 = arith.constant 0 : i32
          %parallel_loop3A_364 = arith.constant 0 : i32
          %parallel_loop3A_365 = tpu.memref_slice %arg9[%parallel_loop3A_300, %parallel_loop3A_361, %parallel_loop3A_362, %parallel_loop3A_363, %parallel_loop3A_364] : memref<2x4x4x8x129xf32, #tpu.memory_space<vmem>> -> memref<1x4x4x8x129xf32, #tpu.memory_space<vmem>>
          %parallel_loop3A_366 = tpu.memref_squeeze %parallel_loop3A_365 : memref<1x4x4x8x129xf32, #tpu.memory_space<vmem>> -> memref<4x4x8x129xf32, #tpu.memory_space<vmem>>
          tpu.vector_store_idx %parallel_loop3A_366[%shift_right_arithmetic3A_283, %parallel_loop3A_342, %and3A_286, %parallel_loop3A_345], %parallel_loop3A_360 : memref<4x4x8x129xf32, #tpu.memory_space<vmem>>[vector<16xi32>, vector<16xi32>, vector<16xi32>, vector<16xi32>], vector<16xf32>,
          %parallel_loop3A_367 = arith.constant 0 : i32
          %parallel_loop3A_368 = arith.constant 0 : i32
          %parallel_loop3A_369 = tpu.memref_slice %arg7[%parallel_loop3A_298, %parallel_loop3A_367, %parallel_loop3A_368] : memref<2x512x32xf32, #tpu.memory_space<vmem>> -> memref<1x512x32xf32, #tpu.memory_space<vmem>>
          %parallel_loop3A_370 = tpu.memref_squeeze %parallel_loop3A_369 : memref<1x512x32xf32, #tpu.memory_space<vmem>> -> memref<512x32xf32, #tpu.memory_space<vmem>>
          %parallel_loop3A_371 = arith.index_cast %parallel_loop3A_339 : i32 to index
          %parallel_loop3A_372 = arith.constant 16 : index
          %parallel_loop3A_373 = tpu.vector_load %parallel_loop3A_370[%parallel_loop3A_371, %parallel_loop3A_372] {strides = array<i32>} : memref<512x32xf32, #tpu.memory_space<vmem>>, vector<16xf32>,
          %parallel_loop3A_374 = arith.constant 0 : i32
          %parallel_loop3A_375 = arith.constant 0 : i32
          %parallel_loop3A_376 = tpu.memref_slice %arg8[%parallel_loop3A_299, %parallel_loop3A_374, %parallel_loop3A_375] : memref<2x512x32xf32, #tpu.memory_space<vmem>> -> memref<1x512x32xf32, #tpu.memory_space<vmem>>
          %parallel_loop3A_377 = tpu.memref_squeeze %parallel_loop3A_376 : memref<1x512x32xf32, #tpu.memory_space<vmem>> -> memref<512x32xf32, #tpu.memory_space<vmem>>
          %parallel_loop3A_378 = arith.index_cast %parallel_loop3A_339 : i32 to index
          %parallel_loop3A_379 = arith.constant 16 : index
          %parallel_loop3A_380 = tpu.vector_load %parallel_loop3A_377[%parallel_loop3A_378, %parallel_loop3A_379] {strides = array<i32>} : memref<512x32xf32, #tpu.memory_space<vmem>>, vector<16xf32>,
          %parallel_loop3A_381 = arith.addf %parallel_loop3A_373, %parallel_loop3A_380 : vector<16xf32>
          %parallel_loop3A_382 = arith.constant 0 : i32
          %parallel_loop3A_383 = arith.constant 0 : i32
          %parallel_loop3A_384 = arith.constant 0 : i32
          %parallel_loop3A_385 = arith.constant 0 : i32
          %parallel_loop3A_386 = tpu.memref_slice %arg9[%parallel_loop3A_300, %parallel_loop3A_382, %parallel_loop3A_383, %parallel_loop3A_384, %parallel_loop3A_385] : memref<2x4x4x8x129xf32, #tpu.memory_space<vmem>> -> memref<1x4x4x8x129xf32, #tpu.memory_space<vmem>>
          %parallel_loop3A_387 = tpu.memref_squeeze %parallel_loop3A_386 : memref<1x4x4x8x129xf32, #tpu.memory_space<vmem>> -> memref<4x4x8x129xf32, #tpu.memory_space<vmem>>
          tpu.vector_store_idx %parallel_loop3A_387[%shift_right_arithmetic3A_292, %parallel_loop3A_342, %and3A_295, %parallel_loop3A_345], %parallel_loop3A_381 : memref<4x4x8x129xf32, #tpu.memory_space<vmem>>[vector<16xi32>, vector<16xi32>, vector<16xi32>, vector<16xi32>], vector<16xf32>,
        } {sc.loop_unroll_factor = 4 : i64, sc.parallel_access}
        %add3A_301 = arith.addi %mul3A_11, %add3A_208 : i32
        %shift_right_arithmetic3A_302 = arith.constant 3 : i32
        %shift_right_arithmetic3A_303 = arith.shrsi %add3A_301, %shift_right_arithmetic3A_302 : i32
        %and3A_304 = arith.constant 7 : i32
        %and3A_305 = arith.andi %add3A_301, %and3A_304 : i32
        %dma_start3A_306 = arith.constant 1 : i32
        %dma_start3A_307 = arith.constant 0 : i32
        %dma_start3A_308 = arith.constant 0 : i32
        %dma_start3A_309 = arith.constant 0 : i32
        %dma_start3A_310 = arith.constant 0 : i32
        %dma_start3A_311 = tpu.memref_slice %arg9[%dma_start3A_306, %dma_start3A_307, %dma_start3A_308, %dma_start3A_309, %dma_start3A_310] : memref<2x4x4x8x129xf32, #tpu.memory_space<vmem>> -> memref<1x4x4x8x129xf32, #tpu.memory_space<vmem>>
        %dma_start3A_312 = tpu.memref_squeeze %dma_start3A_311 : memref<1x4x4x8x129xf32, #tpu.memory_space<vmem>> -> memref<4x4x8x129xf32, #tpu.memory_space<vmem>>
        %dma_start3A_313 = arith.constant 0 : i32
        %dma_start3A_314 = arith.constant 0 : i32
        %dma_start3A_315 = arith.constant 0 : i32
        %dma_start3A_316 = arith.constant 0 : i32
        %dma_start3A_317 = tpu.memref_slice %dma_start3A_312[%dma_start3A_313, %dma_start3A_314, %dma_start3A_315, %dma_start3A_316] : memref<4x4x8x129xf32, #tpu.memory_space<vmem>> -> memref<4x4x8x128xf32, #tpu.memory_space<vmem>>
        %dma_start3A_318 = arith.constant 0 : i32
        %dma_start3A_319 = arith.constant 0 : i32
        %dma_start3A_320 = arith.constant 0 : i32
        %dma_start3A_321 = tpu.memref_slice %arg5[%add3A_301, %dma_start3A_318, %mul3A_34, %dma_start3A_319, %dma_start3A_320] : memref<200x4x32x8x128xf32, #tpu.memory_space<hbm>> -> memref<1x4x4x8x128xf32, #tpu.memory_space<hbm>>
        %dma_start3A_322 = tpu.memref_squeeze %dma_start3A_321 : memref<1x4x4x8x128xf32, #tpu.memory_space<hbm>> -> memref<4x4x8x128xf32, #tpu.memory_space<hbm>>
        %dma_start3A_323 = arith.constant 0 : i32
        %dma_start3A_324 = arith.constant 0 : i32
        %dma_start3A_325 = arith.constant 0 : i32
        %dma_start3A_326 = tpu.memref_slice %arg5[%add3A_301, %dma_start3A_323, %mul3A_34, %dma_start3A_324, %dma_start3A_325] : memref<200x4x32x8x128xf32, #tpu.memory_space<hbm>> -> memref<1x4x4x8x128xf32, #tpu.memory_space<hbm>>
        %dma_start3A_327 = tpu.memref_squeeze %dma_start3A_326 : memref<1x4x4x8x128xf32, #tpu.memory_space<hbm>> -> memref<4x4x8x128xf32, #tpu.memory_space<hbm>>
        %dma_start3A_328 = arith.constant 0 : i32
        %dma_start3A_329 = arith.constant 0 : i32
        %dma_start3A_330 = arith.constant 0 : i32
        %dma_start3A_331 = arith.constant 0 : i32
        %dma_start3A_332 = tpu.memref_slice %arg9[%dma_start3A_306, %dma_start3A_328, %dma_start3A_329, %dma_start3A_330, %dma_start3A_331] : memref<2x4x4x8x129xf32, #tpu.memory_space<vmem>> -> memref<1x4x4x8x129xf32, #tpu.memory_space<vmem>>
        %dma_start3A_333 = tpu.memref_squeeze %dma_start3A_332 : memref<1x4x4x8x129xf32, #tpu.memory_space<vmem>> -> memref<4x4x8x129xf32, #tpu.memory_space<vmem>>
        %dma_start3A_334 = arith.constant 0 : i32
        %dma_start3A_335 = arith.constant 0 : i32
        %dma_start3A_336 = arith.constant 0 : i32
        %dma_start3A_337 = arith.constant 0 : i32
        %dma_start3A_338 = tpu.memref_slice %dma_start3A_333[%dma_start3A_334, %dma_start3A_335, %dma_start3A_336, %dma_start3A_337] : memref<4x4x8x129xf32, #tpu.memory_space<vmem>> -> memref<4x4x8x128xf32, #tpu.memory_space<vmem>>
        tpu.enqueue_dma source(%dma_start3A_338 : memref<4x4x8x128xf32, #tpu.memory_space<vmem>>) target(%dma_start3A_327 : memref<4x4x8x128xf32, #tpu.memory_space<hbm>>) target_semaphore(%arg13 : memref<!tpu.dma_semaphore, #tpu.memory_space<semaphore_mem>>)
      } else {
      }
    }
    %scan3A_168 = arith.constant 50 : i32
    %dma_wait3A = arith.constant 0 : i32
    %dma_wait3A_169 = arith.constant 1 : i32
    %dma_wait3A_170 = arith.constant 0 : i32
    %dma_wait3A_171 = arith.constant 0 : i32
    %dma_wait3A_172 = arith.constant 0 : i32
    %dma_wait3A_173 = arith.constant 0 : i32
    %dma_wait3A_174 = tpu.memref_slice %arg9[%dma_wait3A_169, %dma_wait3A_170, %dma_wait3A_171, %dma_wait3A_172, %dma_wait3A_173] : memref<2x4x4x8x129xf32, #tpu.memory_space<vmem>> -> memref<1x4x4x8x129xf32, #tpu.memory_space<vmem>>
    %dma_wait3A_175 = tpu.memref_squeeze %dma_wait3A_174 : memref<1x4x4x8x129xf32, #tpu.memory_space<vmem>> -> memref<4x4x8x129xf32, #tpu.memory_space<vmem>>
    %dma_wait3A_176 = arith.constant 0 : i32
    %dma_wait3A_177 = arith.constant 0 : i32
    %dma_wait3A_178 = arith.constant 0 : i32
    %dma_wait3A_179 = arith.constant 0 : i32
    %dma_wait3A_180 = tpu.memref_slice %dma_wait3A_175[%dma_wait3A_176, %dma_wait3A_177, %dma_wait3A_178, %dma_wait3A_179] : memref<4x4x8x129xf32, #tpu.memory_space<vmem>> -> memref<4x4x8x128xf32, #tpu.memory_space<vmem>>
    %dma_wait3A_181 = arith.constant 0 : i32
    %dma_wait3A_182 = arith.constant 0 : i32
    %dma_wait3A_183 = arith.constant 0 : i32
    %dma_wait3A_184 = arith.constant 0 : i32
    %dma_wait3A_185 = tpu.memref_slice %arg5[%dma_wait3A, %dma_wait3A_181, %dma_wait3A_182, %dma_wait3A_183, %dma_wait3A_184] : memref<200x4x32x8x128xf32, #tpu.memory_space<hbm>> -> memref<1x4x4x8x128xf32, #tpu.memory_space<hbm>>
    %dma_wait3A_186 = tpu.memref_squeeze %dma_wait3A_185 : memref<1x4x4x8x128xf32, #tpu.memory_space<hbm>> -> memref<4x4x8x128xf32, #tpu.memory_space<hbm>>
    %dma_wait3A_187 = arith.constant 0 : i32
    %dma_wait3A_188 = arith.constant 0 : i32
    %dma_wait3A_189 = arith.constant 0 : i32
    %dma_wait3A_190 = arith.constant 0 : i32
    %dma_wait3A_191 = tpu.memref_slice %arg9[%dma_wait3A_169, %dma_wait3A_187, %dma_wait3A_188, %dma_wait3A_189, %dma_wait3A_190] : memref<2x4x4x8x129xf32, #tpu.memory_space<vmem>> -> memref<1x4x4x8x129xf32, #tpu.memory_space<vmem>>
    %dma_wait3A_192 = tpu.memref_squeeze %dma_wait3A_191 : memref<1x4x4x8x129xf32, #tpu.memory_space<vmem>> -> memref<4x4x8x129xf32, #tpu.memory_space<vmem>>
    %dma_wait3A_193 = arith.constant 0 : i32
    %dma_wait3A_194 = arith.constant 0 : i32
    %dma_wait3A_195 = arith.constant 0 : i32
    %dma_wait3A_196 = arith.constant 0 : i32
    %dma_wait3A_197 = tpu.memref_slice %dma_wait3A_192[%dma_wait3A_193, %dma_wait3A_194, %dma_wait3A_195, %dma_wait3A_196] : memref<4x4x8x129xf32, #tpu.memory_space<vmem>> -> memref<4x4x8x128xf32, #tpu.memory_space<vmem>>
    %dma_wait3A_198 = arith.constant 0 : i32
    %dma_wait3A_199 = arith.constant 0 : i32
    %dma_wait3A_200 = arith.constant 0 : i32
    %dma_wait3A_201 = arith.constant 0 : i32
    %dma_wait3A_202 = tpu.memref_slice %arg5[%dma_wait3A, %dma_wait3A_198, %dma_wait3A_199, %dma_wait3A_200, %dma_wait3A_201] : memref<200x4x32x8x128xf32, #tpu.memory_space<hbm>> -> memref<1x4x4x8x128xf32, #tpu.memory_space<hbm>>
    %dma_wait3A_203 = tpu.memref_squeeze %dma_wait3A_202 : memref<1x4x4x8x128xf32, #tpu.memory_space<hbm>> -> memref<4x4x8x128xf32, #tpu.memory_space<hbm>>
    tpu.wait_dma2 semaphore(%arg13 : memref<!tpu.dma_semaphore, #tpu.memory_space<semaphore_mem>>) src(%dma_wait3A_203 : memref<4x4x8x128xf32, #tpu.memory_space<hbm>>) dst(%dma_wait3A_197 : memref<4x4x8x128xf32, #tpu.memory_space<vmem>>)
    return
  }
}

</mosaic_0001>

<sc_bundles>
// kernel: kernel.3.cloned.1.call-start
scs
__scs_entry_jumppad:
0x0: {  	(pc) =	sbr.rel $0x88, $3  }
0x1: {  	(tag) =	ssettag $0x0;
	lr =	simm.s32 $0x1  }
0x2: {  	[smem:$0x3F9E] =	sst lr;
	_ =	strace $0xD0000000  }
0x3: {  	_ = 	snop  }
0x4: {  	_ = 	snop  }
0x5: {  	_ = 	snop  }
0x6: {  	_ = 	snop  }
0x7: {  	_ = 	snop  }
__scs_overlays_trampoline_lowered:
0x8: {  	[smem:$0x3FAD] =	sst s0  }
0x9: {  	[smem:$0x3FAE] =	sst s1  }
0xa: {  	[smem:$0x3FAF] =	sst s2  }
0xb: {  	[smem:$0x3FB0] =	sst s3  }
0xc: {  	[smem:$0x3FB1] =	sst s4  }
0xd: {  	[smem:$0x3FB2] =	sst s5  }
0xe: {  	[smem:$0x3FB3] =	sst s6  }
0xf: {  	[smem:$0x3FB4] =	sst s7  }
0x10: {  	[smem:$0x3FB5] =	sst s8  }
0x11: {  	[smem:$0x3FB6] =	sst s9;
	s0 =	simm.s32 @!p0 $0x0  }
0x12: {  	s1 =	sld [smem:$0x3F9C];
	s0 =	simm.s32 @p0 $0x1  }
0x13: {  	[smem:$0x3FB7] =	sst s0;
	s0 =	simm.s32 @!p1 $0x0  }
0x14: {  	s2 =	sld [smem:$0x3F9B];
	s0 =	simm.s32 @p1 $0x1  }
0x15: {  	[smem:$0x3FB8] =	sst s0;
	s0 =	simm.s32 @!p2 $0x0  }
0x16: {  	s3 =	sld [smem:$0x3FDB];
	s0 =	simm.s32 @p2 $0x1  }
0x17: {  	s4 =	simm.s32 $0x1BF5;
	[smem:$0x3FBA] =	sst s0  }
0x18: {  	s0 =	sld [smem:$0x3F9D];
	_ =	swait.ge [sflag:s4], $0x0  }
0x19: {  	s7 =	sld [smem:$0x3F9E]  }
0x1a: {  	s8 =	sadd.s32 $0xFFFFE003, lr  }
0x1b: {  	s9 =	sadd.s32 $0xFFFFFEF7, lr;
	s5 =	simm.s32 $0xFFFFFFFF;
	p2 =	slt.u32 s8, $0xFFFFF086  }
0x1c: {  	p1 =	slt.u32 s9, $0xF7A;
	s5 =	simm.s32 @!p2 $0x0  }
0x1d: {  	s5 =	simm.s32 @p1 $0x1;
	p0 =	seq.s32 s7, s2  }
0x1e: {  	s7 =	smul.u32 @!p0 $0xF7A, s2;
	p2 =	seq.s32 @!p0 s5, $0x0  }
0x1f: {  	s9 =	smul.u32 $0xF7A, s1;
	s8 =	simm.s32 @!p0 $0x1BF5;
	p2 =	por !p2, p0  }
0x20: {  	[sflag:s8] =	ssyncset.s32 @!p0 $0xFFFFF086;
	s6 =	sadd.s32 @!p0 s3, s7;
	s7 =	simm.s32 @!p0 $0x108  }
0x21: {  	s3 =	sadd.s32 s3, s9;
	s6 =	sadd.s32 @!p0 $0x88, s6;
	s7 =	simm.s32 @p2 $0x1082  }
0x22: {  	[simem:s7], [sflag:s8] =	dma.local @!p0 [hbm:s6], $0xF7A  }
0x23: {  	s9 =	sor.u32 $0xD0000000, s2;
	s6 =	simm.s32 $0x108;
	_ =	swait.ge @!p0 [sflag:s8], $0x0  }
0x24: {  	s3 =	sadd.s32 $0x88, s3;
	s6 =	simm.s32 @!p1 $0x1082;
	[sflag:s4] =	ssyncset.s32 $0xFFFFF086  }
0x25: {  	[simem:s6], [sflag:s4] =	dma.local [hbm:s3], $0xF7A  }
0x26: {  	[smem:$0x3F9E] =	sst s1;
	(tag) =	ssettag s2;
	_ =	strace s9  }
0x27: {  	s1 =	sld [smem:$0x3FAE]  }
0x28: {  	s2 =	sld [smem:$0x3FAF]  }
0x29: {  	s4 =	sld [smem:$0x3FB1]  }
0x2a: {  	p0 =	seq.s32 s5, $0x0;
	s5 =	sld [smem:$0x3FB2]  }
0x2b: {  	s6 =	sld [smem:$0x3FB3]  }
0x2c: {  	s7 =	sld [smem:$0x3FB4]  }
0x2d: {  	s3 =	simm.s32 $0x108;
	s8 =	sld [smem:$0x3FB5]  }
0x2e: {  	s3 =	simm.s32 @!p0 $0x1082;
	s9 =	sld [smem:$0x3FB6]  }
0x2f: {  	lr =	sadd.s32 s0, s3;
	s0 =	sld [smem:$0x3FAD]  }
0x30: {  	s3 =	sld [smem:$0x3FB0]  }
0x31: {  	[smem:$0x3FB9] =	sst s10  }
0x32: {  	s10 =	sld [smem:$0x3FB7];
	_ =	sdelay $0x3  }
0x33: {  	p0 =	seq.s32 s10, $0x1;
	s10 =	sld [smem:$0x3FB9];
	_ =	sdelay $0x3  }
0x34: {  	[smem:$0x3FB9] =	sst s10  }
0x35: {  	s10 =	sld [smem:$0x3FB8];
	_ =	sdelay $0x3  }
0x36: {  	p1 =	seq.s32 s10, $0x1;
	s10 =	sld [smem:$0x3FB9];
	_ =	sdelay $0x3  }
0x37: {  	[smem:$0x3FB9] =	sst s10  }
0x38: {  	s10 =	sld [smem:$0x3FBA]  }
0x39: {  	_ = 	snop;
	(pc) =	sbr.ind lr, $3  }
0x3a: {  	_ = 	snop  }
0x3b: {  	_ = 	snop  }
0x3c: {  	p2 =	seq.s32 s10, $0x1;
	s10 =	sld [smem:$0x3FB9]  }
0x3d: {  	_ =	shalt  }
0x3e: {  	_ =	shalt  }
0x3f: {  	_ =	shalt  }
0x40: {  	_ =	shalt  }
0x41: {  	_ =	shalt  }
0x42: {  	_ =	shalt  }
0x43: {  	_ =	shalt  }
0x44: {  	_ =	shalt  }
0x45: {  	_ =	shalt  }
0x46: {  	_ =	shalt  }
0x47: {  	_ =	shalt  }
0x48: {  	_ =	shalt  }
0x49: {  	_ =	shalt  }
0x4a: {  	_ =	shalt  }
0x4b: {  	_ =	shalt  }
0x4c: {  	_ =	shalt  }
0x4d: {  	_ =	shalt  }
0x4e: {  	_ =	shalt  }
0x4f: {  	_ =	shalt  }
0x50: {  	_ =	shalt  }
0x51: {  	_ =	shalt  }
0x52: {  	_ =	shalt  }
0x53: {  	_ =	shalt  }
0x54: {  	_ =	shalt  }
0x55: {  	_ =	shalt  }
0x56: {  	_ =	shalt  }
0x57: {  	_ =	shalt  }
0x58: {  	_ =	shalt  }
0x59: {  	_ =	shalt  }
0x5a: {  	_ =	shalt  }
0x5b: {  	_ =	shalt  }
0x5c: {  	_ =	shalt  }
0x5d: {  	_ =	shalt  }
0x5e: {  	_ =	shalt  }
0x5f: {  	_ =	shalt  }
0x60: {  	_ =	shalt  }
0x61: {  	_ =	shalt  }
0x62: {  	_ =	shalt  }
0x63: {  	_ =	shalt  }
0x64: {  	_ =	shalt  }
0x65: {  	_ =	shalt  }
0x66: {  	_ =	shalt  }
0x67: {  	_ =	shalt  }
0x68: {  	_ =	shalt  }
0x69: {  	_ =	shalt  }
0x6a: {  	_ =	shalt  }
0x6b: {  	_ =	shalt  }
0x6c: {  	_ =	shalt  }
0x6d: {  	_ =	shalt  }
0x6e: {  	_ =	shalt  }
0x6f: {  	_ =	shalt  }
0x70: {  	_ =	shalt  }
0x71: {  	_ =	shalt  }
0x72: {  	_ =	shalt  }
0x73: {  	_ =	shalt  }
0x74: {  	_ =	shalt  }
0x75: {  	_ =	shalt  }
0x76: {  	_ =	shalt  }
0x77: {  	_ =	shalt  }
0x78: {  	_ =	shalt  }
0x79: {  	_ =	shalt  }
0x7a: {  	_ =	shalt  }
0x7b: {  	_ =	shalt  }
0x7c: {  	_ =	shalt  }
0x7d: {  	_ =	shalt  }
0x7e: {  	_ =	shalt  }
0x7f: {  	_ =	shalt  }
0x80: {  	_ =	shalt  }
0x81: {  	_ =	shalt  }
0x82: {  	_ =	shalt  }
0x83: {  	_ =	shalt  }
0x84: {  	_ =	shalt  }
0x85: {  	_ =	shalt  }
0x86: {  	_ =	shalt  }
0x87: {  	_ =	shalt  }
.Lfunc_end0:
.L_simem_size_0:
called_computation_lowered:
.L_overlay_start_0:
0x88: {  	s2 =	sld [smem:$0x3FD9]  }
0x89: {  	s3 =	sld [smem:$0x3FFE];
	_ =	sdelay $0x1  }
0x8a: {  	s1 =	srdreg.scid  }
0x8b: {  	s0 =	sand.u32 $0x1, s1  }
0x8c: {  	s17 =	sshll.u32 s0, $0xA;
	s2 =	sadd.s32 s3, s2  }
0x8d: {  	s2 =	sadd.s32 s2, s17  }
0x8e: {  	[smem:$0x3FC5] =	sst s2  }
0x8f: {  	_ = 	snop  }
0x90: {  	s2 =	sld [smem:$0x3FC9]  }
0x91: {  	s18 =	sld [smem:$0x3FD0];
	(tm) =	ssettm $0x1  }
0x92: {  	s4 =	sld [smem:$0x3FFB];
	_ =	sdelay $0x3  }
0x93: {  	_ =	strace s4  }
0x94: {  	s4 =	sld [smem:$0x3FFC];
	_ =	sdelay $0x3  }
0x95: {  	_ =	strace s4  }
0x96: {  	s4 =	sld [smem:$0x3FFD];
	_ =	sdelay $0x3  }
0x97: {  	_ =	strace s4  }
0x98: {  	_ =	strace $0x8FFFFFFF  }
0x99: {  	s19 =	sld [smem:$0x3FDB];
	_ =	sdelay $0x1  }
0x9a: {  	s5 =	simm.s32 $_scs_section_size  }
0x9b: {  	s6 =	simm.s32 $_size__tile_overlayer_lowered;
	s7 =	simm.s32 $_tile_overlayer_lowered  }
0x9c: {  	s22 =	simm.s32 $0x1BFF;
	s21 =	sshll.u32 s7, $0x1;
	s4 =	sadd.s32 s5, s19  }
0x9d: {  	s8 =	simm.s32 $0x0;
	s20 =	sshll.u32 s6, $0x1;
	s6 =	sadd.s32 s21, s4  }
0x9e: {  	[timem:s8], [sflag:s22] =	dma.local [hbm:s6], s20  }
0x9f: {  	_ =	swait.ge [sflag:s22], s20  }
0xa0: {  	s5 =	ssub.s32 $0x0, s20;
	[sflag:s22] =	ssyncset.done $0x0  }
0xa1: {  	[sflag:s22] =	ssyncadd.s32 s5;
	_ =	sdelay $0x1  }
0xa2: {  	s23 =	simm.s32 $0x1B8B  }
0xa3: {  	_ =	swait.ge [sflag:s23], $0x1  }
0xa4: {  	[sflag:s23] =	ssyncset.done $0x0  }
0xa5: {  	s25 =	simm.s32 $0x1B8E;
	s24 =	sld [smem:$0x3FFE];
	[sflag:s23] =	ssyncadd.s32 $0xFFFFFFFF  }
0xa6: {  	s26 =	simm.s32 $execute0_lowered;
	[smem:$0x3FD2] =	sst s25  }
0xa7: {  	s6 =	sshll.u32 s26, $0x1;
	_ =	strace $0x80000046;
	[dreg:$0x1] =	wrdreg $0xFFFFFFFF  }
0xa8: {  	s28 =	simm.s32 $_size_execute0_lowered;
	s4 =	sadd.s32 s4, s6;
	[dreg:$0x0] =	wrdreg $0x0  }
0xa9: {  	s6 =	sshll.u32 s28, $0x1;
	[dreg:$0x2] =	wrdreg s4  }
0xaa: {  	[dreg:$0x3] =	wrdreg s6  }
0xab: {  	[dreg:$0x4] =	wrdreg $0xC0  }
0xac: {  	_ =	task [dreg:s8], $0x5FFFF  }
0xad: {  	[dreg:$0x1] =	wrdreg $0xFFFFFFFF  }
0xae: {  	[dreg:$0x0] =	wrdreg $0x60  }
0xaf: {  	[dreg:$0x2] =	wrdreg s2  }
0xb0: {  	[dreg:$0x3] =	wrdreg s24  }
0xb1: {  	[dreg:$0x4] =	wrdreg s18  }
0xb2: {  	[dreg:$0x5] =	wrdreg $0x9  }
0xb3: {  	_ =	task.clear_ibuf [dreg:s8], $0x6FFFF;
	_ =	strace $0x90000046  }
0xb4: {  	s29 =	simm.s32 $0x9;
	_ =	strace $0x80000048  }
0xb5: {  	_ =	swait.ge [sflag:s29], $0x1  }
0xb6: {  	[sflag:s29] =	ssyncadd.s32 $0xFFFFFFFF  }
0xb7: {  	_ =	strace $0x90000048  }
0xb8: {  	_ =	sfence  }
0xb9: {  	s30 =	sld [smem:$0x0];
	_ =	sdelay $0x2  }
0xba: {  	s31 =	sshll.u32 s1, $0xD;
	s1 =	sshrl.u32 s1, $0x2  }
0xbb: {  	s3 =	sand.u32 $0x4000, s31;
	s1 =	sadd.s32 s1, s30  }
0xbc: {  	s0 =	sor.u32 s3, s0;
	s1 =	sshll.u32 s1, $0x11  }
0xbd: {  	s0 =	sor.u32 s1, s0  }
0xbe: {  	s0 =	sadd.s32 $0x8F2B, s0  }
0xbf: {  	[sflag:s0] =	ssyncadd.remote.s32 $0x1  }
0xc0: {  	_ =	sfence.sel $0xFFFF  }
0xc1: {  	[dreg:$0x0] =	wrdreg $0xFFFFFFFF;
	(pc) =	sbr.abs _section_cstart, $3  }
0xc2: {  	[dreg:$0x1] =	wrdreg $0xFFFFFFFF  }
0xc3: {  	_ =	task.clear_ibuf [dreg:s8], $0x2FFFF;
	_ =	strace $0x9FFFFFFF  }
0xc4: {  	(tm) =	ssettm $0x7FFFFFFF  }
0xc5: {  	_ =	shalt  }
tec
execute0_lowered:
.L_overlay_start_1:
0x0: {  	(tag) =	ssettag $0x1  }
0x1: {  	s11 =	rddreg [dreg:$0x0]  }
0x2: {  	s0 =	rddreg [dreg:$0x1]  }
0x3: {  	s3 =	rddreg [dreg:$0x2];
	s6 =	stileid.u32  }
0x4: {  	s1 =	srdreg.scid;
	s4 =	simm.s32 $0x0;
	v0 =	vimm.s32 $0x14B8;
	vm0 =	vcmask $0x300;
	v1 =	vimm.s32 $0x36B8;
	s17 =	simm.s32 $0x80  }
0x5: {  	vm1 =	vcmask $0x704;
	s29 =	simm.s32 $0xD000;
	s30 =	simm.s32 $0x6000;
	s31 =	simm.s32 $0xE000;
	v0 =	vsel vm0, $0x0, v0;
	v1 =	vsel vm0, $0x2200, v1  }
0x6: {  	vm15 =	vcmask $0xB08;
	s18 =	simm.s32 $0x8000;
	s19 =	simm.s32 $0x10000;
	s20 =	simm.s32 $0x1;
	v0 =	vsel vm1, $0x88, v0;
	v1 =	vsel vm1, $0x2288, v1  }
0x7: {  	vm4 =	vcmask $0xF0C;
	s21 =	simm.s32 $0x11000;
	s22 =	simm.s32 $0x3;
	s2 =	sshll.u32 s6, $0x1;
	v0 =	vsel vm15, $0x110, v0;
	v1 =	vsel vm15, $0x2310, v1  }
0x8: {  	vm5 =	vcmask $0x1310;
	s1 =	sand.u32 $0x1, s1;
	[smem:$0x7FF] =	sst s4;
	s2 =	sand.u32 $0x2, s2;
	v0 =	vsel vm4, $0x198, v0;
	v1 =	vsel vm4, $0x2398, v1  }
0x9: {  	vm6 =	vcmask $0x1714;
	s5 =	sadd.s32 $0xF42800, s0;
	s2 =	sor.u32 s1, s2;
	s1 =	ssub.s32 $0x2, s1;
	v0 =	vsel vm5, $0x220, v0;
	v1 =	vsel vm5, $0x2420, v1  }
0xa: {  	vm7 =	vcmask $0x1B18;
	s6 =	sshrl.u32 s6, $0x1;
	s8 =	smul.u32 $0x32000, s2;
	s9 =	sshrl.u32 s1, $0x1;
	v0 =	vsel vm6, $0x2A8, v0;
	v1 =	vsel vm6, $0x24A8, v1  }
0xb: {  	vm8 =	vcmask $0x1F1C;
	_ =	strace $0x80000047;
	s7 =	sshll.u32 s6, $0xC;
	s23 =	ssub.s32 s1, s9;
	v0 =	vsel vm7, $0x330, v0;
	v1 =	vsel vm7, $0x2530, v1  }
0xc: {  	vm9 =	vcmask $0x2320;
	s9 =	smul.u32 $0x32, s2;
	s2 =	sshll.u32 s2, $0x8;
	s10 =	sand.u32 $0xF8000, s8;
	v0 =	vsel vm8, $0x3B8, v0;
	v1 =	vsel vm8, $0x25B8, v1  }
0xd: {  	vm10 =	vcmask $0x2724;
	s8 =	sadd.s32 $0x1313200, s0;
	s25 =	sor.u32 $0x400, s2;
	[dreg:$0x4] =	wrdreg s2;
	v0 =	vsel vm9, $0x1100, v0;
	v1 =	vsel vm9, $0x3300, v1  }
0xe: {  	vm11 =	vcmask $0x2B28;
	s26 =	sor.u32 $0x800, s2;
	s28 =	sor.u32 $0xC00, s2;
	[dreg:$0x6] =	wrdreg s25;
	v0 =	vsel vm10, $0x1188, v0;
	v1 =	vsel vm10, $0x3388, v1  }
.Ltmp0:
0xf: {  	vm12 =	vcmask $0x2F2C;
	s0 =	smax.u32 s23, $0x1;
	[dreg:$0x7] =	wrdreg s26;
	v0 =	vsel vm11, $0x1210, v0;
	v1 =	vsel vm11, $0x3410, v1;
	(pc) =	sbr.rel .LBB2_1-.Ltmp0, $4  }
0x10: {  	vm13 =	vcmask $0x3330;
	s23 =	simm.s32 $0x2;
	s24 =	sor.u32 s7, s10;
	[dreg:$0x8] =	wrdreg s28;
	v0 =	vsel vm12, $0x1298, v0;
	v1 =	vsel vm12, $0x3498, v1  }
0x11: {  	vm14 =	vcmask $0x3734;
	[dreg:$0x9] =	wrdreg s0;
	s26 =	simm.s32 $0x4;
	s1 =	sshrl.u32 s24, $0x3;
	v0 =	vsel vm13, $0x1320, v0;
	v1 =	vsel vm13, $0x3520, v1  }
0x12: {  	vm15 =	vcmask $0x3B38;
	s0 =	simm.s32 $0x7000;
	s10 =	simm.s32 $0x0;
	s1 =	sadd.s32 s11, s1;
	v0 =	vsel vm14, $0x13A8, v0;
	v1 =	vsel vm14, $0x35A8, v1  }
0x13: {  	s24 =	simm.s32 $0x15400;
	[dreg:$0x5] =	wrdreg s1;
	s1 =	simm.s32 $0xF000;
	v0 =	vsel vm15, $0x1430, v0;
	v1 =	vsel vm15, $0x3630, v1  }
.LBB2_29:
0x14: {  	_ =	swait.ge [sflag:s26], $0x4000  }
0x15: {  	s10 =	rddreg [dreg:$0xa]  }
0x16: {  	s2 =	rddreg [dreg:$0x9];
	s10 =	sadd.s32 $0x1, s10  }
0x17: {  	p0 =	sne.s32 s10, s2  }
.Ltmp1:
0x18: {  	_ = 	snop;
	(pc) =	sbr.rel @!p0 .LBB2_30-.Ltmp1, $3  }
0x19: {  	_ =	sdelay $0x1  }
0x1a: {  	[sflag:s26] =	ssyncset.done $0x0  }
0x1b: {  	[sflag:s26] =	ssyncadd.s32 $0xFFFFC000  }
.LBB2_1:
0x1c: {  	[dreg:$0xa] =	wrdreg s10  }
0x1d: {  	s2 =	rddreg [dreg:$0x5];
	s14 =	simm.s32 $0x5  }
0x1e: {  	[tilespmem:s4], [sflag:$0x5] =	stream.linear.gather [hbm4b:s2+s4], $0x1000, $0x38;
	[tilespmem:$0x19800] =	vst v63  }
0x1f: {  	_ =	swait.ge [sflag:s14], $0x1000  }
0x20: {  	[sflag:s14] =	ssyncset.done $0x0  }
0x21: {  	s16 =	simm.s32 $0x1000;
	s15 =	rddreg [dreg:$0x4];
	[sflag:s14] =	ssyncadd.s32 $0xFFFFF000  }
0x22: {  	[tilespmem:s16], [sflag:$0x1] =	stream.indirect.gather [hbm4b:s5+s17], $0x20, s15, s17, $0xb8;
	[tilespmem:$0x19800] =	vst v63  }
0x23: {  	s25 =	simm.s32 $0x9000  }
0x24: {  	[tilespmem:s25], [sflag:$0x1] =	stream.indirect.gather [hbm4b:s8+s17], $0x20, s15, s17, $0xb8;
	[tilespmem:$0x19800] =	vst v63  }
0x25: {  	s11 =	simm.s32 $0x2000;
	s28 =	rddreg [dreg:$0x6]  }
0x26: {  	[tilespmem:s11], [sflag:$0x1] =	stream.indirect.gather [hbm4b:s5+s17], $0x20, s28, s17, $0xb8;
	[tilespmem:$0x19800] =	vst v63  }
0x27: {  	s12 =	simm.s32 $0xA000  }
0x28: {  	[tilespmem:s12], [sflag:$0x1] =	stream.indirect.gather [hbm4b:s8+s17], $0x20, s28, s17, $0xb8;
	[tilespmem:$0x19800] =	vst v63  }
0x29: {  	s13 =	rddreg [dreg:$0x7];
	s14 =	simm.s32 $0x3000  }
0x2a: {  	[tilespmem:s14], [sflag:$0x1] =	stream.indirect.gather [hbm4b:s5+s17], $0x20, s13, s17, $0xb8;
	[tilespmem:$0x19800] =	vst v63  }
0x2b: {  	s15 =	simm.s32 $0xB000  }
0x2c: {  	[tilespmem:s15], [sflag:$0x1] =	stream.indirect.gather [hbm4b:s8+s17], $0x20, s13, s17, $0xb8;
	[tilespmem:$0x19800] =	vst v63  }
.Ltmp2:
0x2d: {  	_ = 	snop;
	(pc) =	sbr.rel .LBB2_2-.Ltmp2, $4  }
0x2e: {  	s16 =	rddreg [dreg:$0x8];
	s25 =	simm.s32 $0x4000  }
0x2f: {  	[tilespmem:s25], [sflag:$0x1] =	stream.indirect.gather [hbm4b:s5+s17], $0x20, s16, s17, $0xb8;
	[tilespmem:$0x19800] =	vst v63  }
0x30: {  	s11 =	simm.s32 $0x0;
	s28 =	simm.s32 $0xC000  }
0x31: {  	[tilespmem:s28], [sflag:$0x1] =	stream.indirect.gather [hbm4b:s8+s17], $0x20, s16, s17, $0xb8;
	[tilespmem:$0x19800] =	vst v63  }
.LBB2_28:
0x32: {  	p0 =	slt.u32 s15, $0x32  }
.Ltmp3:
0x33: {  	_ = 	snop;
	(pc) =	sbr.rel @!p0 .LBB2_29-.Ltmp3, $2  }
0x34: {  	_ =	sdelay $0x2  }
0x35: {  	s11 =	smov.u32 s15  }
.LBB2_2:
0x36: {  	s16 =	sand.u32 $0x1, s11;
	p0 =	seq.s32 s11, $0x0  }
0x37: {  	p1 =	sne.s32 @!p0 s16, $0x0  }
0x38: {  	p0 =	por p0, p1  }
.Ltmp4:
0x39: {  	_ = 	snop;
	(pc) =	sbr.rel @p0 .LBB2_4-.Ltmp4, $1  }
0x3a: {  	_ =	sdelay $0x3  }
0x3b: {  	_ =	swait.ge [sflag:s26], $0x4000  }
0x3c: {  	[sflag:s26] =	ssyncset.done $0x0  }
0x3d: {  	s15 =	sor.u32 $0x1, s11;
	p0 =	por $0x1, $0x1;
	[sflag:s26] =	ssyncadd.s32 $0xFFFFC000  }
.LBB2_5:
0x3e: {  	s2 =	sadd.s32 s9, s15  }
0x3f: {  	s2 =	sshll.u32 s2, $0x7  }
0x40: {  	s10 =	simm.s32 $0x5000;
	s2 =	sand.u32 $0x380, s2  }
0x41: {  	[tilespmem:s10], [sflag:$0x2] =	stream.indirect.gather [hbm4b:s5+s17], $0x20, s2, s17, $0xb8;
	[tilespmem:$0x19800] =	vst v63  }
0x42: {  	_ = 	snop  }
0x43: {  	[tilespmem:s29], [sflag:$0x2] =	stream.indirect.gather [hbm4b:s8+s17], $0x20, s2, s17, $0xb8;
	[tilespmem:$0x19800] =	vst v63  }
0x44: {  	s28 =	sor.u32 $0x400, s2  }
0x45: {  	[tilespmem:s30], [sflag:$0x2] =	stream.indirect.gather [hbm4b:s5+s17], $0x20, s28, s17, $0xb8;
	[tilespmem:$0x19800] =	vst v63  }
0x46: {  	_ = 	snop  }
0x47: {  	[tilespmem:s31], [sflag:$0x2] =	stream.indirect.gather [hbm4b:s8+s17], $0x20, s28, s17, $0xb8;
	[tilespmem:$0x19800] =	vst v63  }
0x48: {  	s12 =	sor.u32 $0x800, s2  }
0x49: {  	[tilespmem:s0], [sflag:$0x2] =	stream.indirect.gather [hbm4b:s5+s17], $0x20, s12, s17, $0xb8;
	[tilespmem:$0x19800] =	vst v63  }
0x4a: {  	_ = 	snop  }
0x4b: {  	[tilespmem:s1], [sflag:$0x2] =	stream.indirect.gather [hbm4b:s8+s17], $0x20, s12, s17, $0xb8;
	[tilespmem:$0x19800] =	vst v63  }
0x4c: {  	s2 =	sor.u32 $0xC00, s2  }
0x4d: {  	[tilespmem:s18], [sflag:$0x2] =	stream.indirect.gather [hbm4b:s5+s17], $0x20, s2, s17, $0xb8;
	[tilespmem:$0x19800] =	vst v63  }
0x4e: {  	_ = 	snop  }
0x4f: {  	[tilespmem:s19], [sflag:$0x2] =	stream.indirect.gather [hbm4b:s8+s17], $0x20, s2, s17, $0xb8;
	[tilespmem:$0x19800] =	vst v63  }
0x50: {  	_ =	swait.ge [sflag:s20], $0x4000  }
0x51: {  	[sflag:s20] =	ssyncset.done $0x0  }
0x52: {  	s13 =	simm.s32 $0x0;
	[sflag:s20] =	ssyncadd.s32 $0xFFFFC000  }
0x53: {  	v2 =	vmov s13;
	_ =	swait.ge [sflag:s20], $0x4000  }
0x54: {  	v2 =	vmul.u32 $0x440, v2;
	[sflag:s20] =	ssyncset.done $0x0  }
0x55: {  	s12 =	simm.s32 $0x1040;
	[sflag:s20] =	ssyncadd.s32 $0xFFFFC000  }
0x56: {  	s14 =	simm.s32 $0x3;
	s10 =	simm.s32 $0x9040;
	v3 =	vbroadcast v2, $0x0;
	v4 =	vld [tilespmem:s12+$0x20]  }
0x57: {  	v2 =	vmov s14;
	v6 =	vld [tilespmem:s10+$0x20]  }
0x58: {  	s25 =	simm.s32 $0x0;
	v7 =	vand.u32 $0x78, v2;
	v5 =	vadd.s32 v0, v3;
	v9 =	vld [tilespmem:s12+$0xFFFFFFC0]  }
0x59: {  	v8 =	vmov s25;
	v10 =	vand.u32 $0x7, v2;
	v2 =	vadd.s32 v7, v5;
	v12 =	vld [tilespmem:s10+$0xFFFFFFC0]  }
0x5a: {  	v11 =	vand.u32 $0x78, v8;
	v2 =	vor.u32 v10, v2;
	s28 =	simm.s32 $0x1;
	v15 =	vld [tilespmem:s12+$0xFFFFFFE0]  }
0x5b: {  	s13 =	simm.s32 $0x2;
	v8 =	vand.u32 $0x4, v8;
	v14 =	vadd.s32 v11, v5;
	v13 =	vmov s28;
	v18 =	vld [tilespmem:s10+$0xFFFFFFE0]  }
0x5c: {  	v16 =	vmov s13;
	v14 =	vor.u32 v8, v14;
	v17 =	vand.u32 $0x78, v13;
	v20 =	vld [tilespmem:s12+$0x0]  }
0x5d: {  	s13 =	simm.s32 $0x90C0;
	v13 =	vand.u32 $0x5, v13;
	v19 =	vadd.s32 v17, v5;
	v21 =	vld [tilespmem:s10+$0x0];
	v4 =	vadd.f32 v6, v4  }
0x5e: {  	v19 =	vor.u32 v13, v19;
	v26 =	vld [tilespmem:s13+$0x20];
	v6 =	vand.u32 $0x78, v16  }
0x5f: {  	v31 =	vld [tilespmem:s13+$0xFFFFFFE0];
	v16 =	vand.u32 $0x6, v16;
	v9 =	vadd.f32 v12, v9;
	v5 =	vadd.s32 v6, v5;
	[tilespmem:v2+s21+$0x0] =	vst.idx.msk $0xffff, v4  }
0x60: {  	s14 =	simm.s32 $0x4;
	v3 =	vadd.s32 v1, v3;
	v5 =	vor.u32 v16, v5;
	v12 =	vld [tilespmem:s12+$0x30]  }
0x61: {  	s25 =	simm.s32 $0x0;
	v11 =	vadd.s32 v11, v3;
	v4 =	vmov s14;
	[tilespmem:v14+s21+$0x0] =	vst.idx.msk $0xffff, v9;
	v9 =	vadd.f32 v18, v15;
	v14 =	vld [tilespmem:s10+$0x30]  }
0x62: {  	v2 =	vand.u32 $0x4, v4;
	v15 =	vld [tilespmem:s12+$0xFFFFFFD0];
	v22 =	vand.u32 $0x78, v4;
	v4 =	vmov s25  }
0x63: {  	v7 =	vadd.s32 v7, v3;
	v18 =	vld [tilespmem:s10+$0xFFFFFFD0];
	[tilespmem:v19+s21+$0x0] =	vst.idx.msk $0xffff, v9;
	v9 =	vadd.f32 v21, v20;
	v20 =	vmul.u32 $0x440, v4  }
0x64: {  	v7 =	vor.u32 v10, v7;
	v11 =	vor.u32 v8, v11;
	v21 =	vld [tilespmem:s12+$0xFFFFFFF0]  }
0x65: {  	v6 =	vadd.s32 v6, v3;
	s14 =	simm.s32 $0x6;
	s25 =	simm.s32 $0x7;
	v24 =	vld [tilespmem:s10+$0xFFFFFFF0];
	[tilespmem:v5+s21+$0x0] =	vst.idx.msk $0xffff, v9;
	v9 =	vadd.s32 v17, v3;
	v17 =	vbroadcast v20, $0x0  }
0x66: {  	s28 =	simm.s32 $0x5;
	v6 =	vor.u32 v16, v6;
	v23 =	vmov s14;
	v10 =	vmov s25;
	v5 =	vld [tilespmem:s12+$0x10];
	s12 =	simm.s32 $0x10C0  }
0x67: {  	v19 =	vmov s28;
	v27 =	vand.u32 $0x78, v10;
	v20 =	vld [tilespmem:s12+$0x20];
	v25 =	vadd.s32 v0, v17  }
0x68: {  	v29 =	vand.u32 $0x7, v10;
	v10 =	vor.u32 v13, v9;
	v13 =	vld [tilespmem:s13+$0xFFFFFFC0];
	v8 =	vadd.s32 v27, v25  }
0x69: {  	v4 =	vand.u32 $0x5, v19;
	v9 =	vadd.f32 v14, v12;
	v28 =	vld [tilespmem:s12+$0xFFFFFFC0];
	v14 =	vor.u32 v29, v8  }
0x6a: {  	v30 =	vand.u32 $0x78, v19;
	v3 =	vand.u32 $0x6, v23;
	v16 =	vld [tilespmem:s12+$0xFFFFFFE0];
	v12 =	vadd.s32 v22, v25  }
0x6b: {  	v15 =	vadd.f32 v18, v15;
	[tilespmem:v7+s21+$0x0] =	vst.idx.msk $0xffff, v9;
	v8 =	vand.u32 $0x78, v23;
	v23 =	vor.u32 v2, v12  }
0x6c: {  	v32 =	vld [tilespmem:s13+$0x0];
	s14 =	simm.s32 $0x8;
	v7 =	vadd.s32 v30, v25;
	v9 =	vadd.s32 v8, v25;
	v18 =	vadd.f32 v26, v20  }
0x6d: {  	[tilespmem:v11+s21+$0x0] =	vst.idx.msk $0xffff, v15;
	v11 =	vmov s14;
	v25 =	vld [tilespmem:s12+$0x0];
	v12 =	vor.u32 v3, v9;
	v26 =	vor.u32 v4, v7  }
0x6e: {  	v19 =	vld [tilespmem:s10+$0x10];
	v9 =	vand.u32 $0x4, v11;
	v15 =	vadd.f32 v13, v28;
	v20 =	vadd.s32 v1, v17;
	[tilespmem:v14+s21+$0x0] =	vst.idx.msk $0xffff, v18  }
0x6f: {  	s28 =	simm.s32 $0x9;
	v7 =	vadd.f32 v24, v21;
	v17 =	vadd.f32 v31, v16;
	v22 =	vadd.s32 v22, v20;
	v13 =	vld [tilespmem:s12+$0x30]  }
0x70: {  	s25 =	simm.s32 $0xA;
	v21 =	vadd.s32 v30, v20;
	v27 =	vadd.s32 v27, v20;
	v18 =	vmov s28;
	[tilespmem:v23+s21+$0x0] =	vst.idx.msk $0xffff, v15;
	v16 =	vld [tilespmem:s13+$0x30]  }
0x71: {  	[tilespmem:v10+s21+$0x0] =	vst.idx.msk $0xffff, v7;
	v7 =	vand.u32 $0x78, v11;
	v14 =	vmov s25;
	s28 =	simm.s32 $0x0;
	v10 =	vand.u32 $0x5, v18;
	v11 =	vld [tilespmem:s12+$0xFFFFFFD0]  }
0x72: {  	s10 =	simm.s32 $0x90C0;
	s25 =	simm.s32 $0xC;
	v24 =	vmov s28;
	v15 =	vld [tilespmem:s13+$0xFFFFFFD0];
	v23 =	vadd.f32 v32, v25;
	[tilespmem:v26+s21+$0x0] =	vst.idx.msk $0xffff, v17;
	v17 =	vor.u32 v29, v27  }
.LBB2_6:
0x73: {  	p1 =	slt.u32 s25, $0x1FC;
	v24 =	vmul.u32 $0x440, v24;
	v25 =	vld [tilespmem:s12+$0xFFFFFFF0];
	v8 =	vadd.s32 v8, v20;
	v19 =	vadd.f32 v19, v5  }
0x74: {  	v20 =	vand.u32 $0x6, v14;
	v22 =	vor.u32 v2, v22;
	v21 =	vor.u32 v4, v21;
	v26 =	vld [tilespmem:s13+$0xFFFFFFF0];
	[tilespmem:v12+s21+$0x0] =	vst.idx.msk $0xffff, v23  }
0x75: {  	s2 =	sadd.s32 $0x3, s14;
	s14 =	smov.u32 s25;
	v23 =	vbroadcast v24, $0x0;
	v5 =	vld [tilespmem:s12+$0x10];
	v28 =	vadd.f32 v16, v13;
	s12 =	sadd.s32 $0x80, s12;
	[tilespmem:v6+s21+$0x0] =	vst.idx.msk $0xffff, v19;
	v6 =	vor.u32 v3, v8  }
0x76: {  	v2 =	vmovc v9;
	v12 =	vmov s2;
	s13 =	sadd.s32 $0x80, s13;
	v24 =	vand.u32 $0x78, v18;
	v8 =	vand.u32 $0x78, v14;
	v3 =	vmovc v20;
	v13 =	vld [tilespmem:s12+$0x20]  }
0x77: {  	v27 =	vand.u32 $0x78, v12;
	v9 =	vadd.s32 v0, v23;
	v14 =	vld [tilespmem:s13+$0x20];
	v11 =	vadd.f32 v15, v11;
	[tilespmem:v17+s21+$0x0] =	vst.idx.msk $0xffff, v28  }
0x78: {  	v4 =	vmovc v10;
	v17 =	vand.u32 $0x7, v12;
	v15 =	vld [tilespmem:s12+$0xFFFFFFC0];
	v16 =	vadd.s32 v7, v9;
	v12 =	vadd.s32 v27, v9  }
0x79: {  	v18 =	vadd.s32 v24, v9;
	v9 =	vadd.s32 v8, v9;
	v10 =	vld [tilespmem:s13+$0xFFFFFFC0];
	v19 =	vor.u32 v17, v12  }
0x7a: {  	v16 =	vor.u32 v2, v16;
	v29 =	vor.u32 v4, v18;
	v12 =	vor.u32 v3, v9;
	v28 =	vld [tilespmem:s12+$0xFFFFFFE0]  }
0x7b: {  	v9 =	vadd.f32 v26, v25;
	v30 =	vld [tilespmem:s13+$0xFFFFFFE0];
	[tilespmem:v22+s21+$0x0] =	vst.idx.msk $0xffff, v11  }
0x7c: {  	v25 =	vld [tilespmem:s12+$0x0];
	v11 =	vadd.f32 v14, v13  }
0x7d: {  	v13 =	vmov s25;
	v26 =	vld [tilespmem:s13+$0x0];
	[tilespmem:v21+s21+$0x0] =	vst.idx.msk $0xffff, v9  }
.Ltmp5:
0x7e: {  	s28 =	sadd.s32 $0x2, s25;
	s2 =	sadd.s32 $0x1, s25;
	v9 =	vand.u32 $0x4, v13;
	v15 =	vadd.f32 v10, v15;
	[tilespmem:v19+s21+$0x0] =	vst.idx.msk $0xffff, v11;
	v19 =	vld [tilespmem:s10+$0x10];
	(pc) =	sbr.rel @p1 .LBB2_6-.Ltmp5, $4  }
0x7f: {  	v18 =	vmov s2;
	v14 =	vmov s28;
	v31 =	vand.u32 $0x78, v13;
	s10 =	smov.u32 s13;
	v13 =	vld [tilespmem:s12+$0x30]  }
0x80: {  	v20 =	vadd.s32 v1, v23;
	v10 =	vand.u32 $0x5, v18;
	[tilespmem:v16+s21+$0x0] =	vst.idx.msk $0xffff, v15;
	v23 =	vadd.f32 v30, v28;
	v16 =	vld [tilespmem:s13+$0x30]  }
0x81: {  	v27 =	vadd.s32 v27, v20;
	s2 =	sshrl.u32 s25, $0x7;
	v22 =	vadd.s32 v7, v20;
	v21 =	vadd.s32 v24, v20;
	v7 =	vmovc v31;
	v11 =	vld [tilespmem:s12+$0xFFFFFFD0]  }
0x82: {  	v17 =	vor.u32 v17, v27;
	s25 =	sadd.s32 $0x4, s25;
	v24 =	vmov s2;
	v15 =	vld [tilespmem:s13+$0xFFFFFFD0];
	[tilespmem:v29+s21+$0x0] =	vst.idx.msk $0xffff, v23;
	v23 =	vadd.f32 v26, v25  }
0x83: {  	v24 =	vmul.u32 $0x440, v24;
	v25 =	vld [tilespmem:s12+$0xFFFFFFF0]  }
0x84: {  	v26 =	vld [tilespmem:s13+$0xFFFFFFF0];
	s2 =	sadd.s32 $0x80, s12  }
0x85: {  	s14 =	sadd.s32 $0x3, s14;
	s25 =	sadd.s32 $0x80, s13;
	v27 =	vld [tilespmem:s2+$0x20];
	v24 =	vbroadcast v24, $0x0  }
0x86: {  	v28 =	vmov s14;
	v29 =	vld [tilespmem:s25+$0x20]  }
0x87: {  	v32 =	vld [tilespmem:s2+$0xFFFFFFC0];
	v31 =	vand.u32 $0x78, v28;
	v30 =	vadd.s32 v0, v24  }
0x88: {  	v34 =	vld [tilespmem:s25+$0xFFFFFFC0];
	v28 =	vand.u32 $0x7, v28;
	v33 =	vadd.s32 v31, v30  }
0x89: {  	v35 =	vld [tilespmem:s2+$0xFFFFFFE0];
	v33 =	vor.u32 v28, v33  }
0x8a: {  	v60 =	vld [tilespmem:s25+$0xFFFFFFE0];
	v59 =	vadd.s32 v7, v30  }
0x8b: {  	v58 =	vand.u32 $0x78, v18;
	v38 =	vld [tilespmem:s2+$0x0];
	v18 =	vor.u32 v9, v59  }
0x8c: {  	[tilespmem:v12+s21+$0x0] =	vst.idx.msk $0xffff, v23;
	v62 =	vld [tilespmem:s25+$0x0];
	v37 =	vadd.s32 v58, v30;
	v27 =	vadd.f32 v29, v27  }
0x8d: {  	v61 =	vand.u32 $0x78, v14;
	v36 =	vld [tilespmem:s12+$0x10];
	v37 =	vor.u32 v10, v37  }
0x8e: {  	v63 =	vand.u32 $0x6, v14;
	v41 =	vld [tilespmem:s10+$0x10];
	v39 =	vadd.s32 v61, v30;
	v40 =	vadd.f32 v34, v32;
	[tilespmem:v33+s21+$0x0] =	vst.idx.msk $0xffff, v27  }
0x8f: {  	v5 =	vadd.f32 v19, v5;
	v42 =	vor.u32 v63, v39;
	v44 =	vld [tilespmem:s2+$0x30]  }
0x90: {  	v2 =	vor.u32 v2, v22;
	v43 =	vadd.f32 v60, v35;
	[tilespmem:v18+s21+$0x0] =	vst.idx.msk $0xffff, v40;
	v45 =	vld [tilespmem:s25+$0x30]  }
0x91: {  	v8 =	vadd.s32 v8, v20;
	[tilespmem:v6+s21+$0x0] =	vst.idx.msk $0xffff, v5;
	v46 =	vadd.f32 v16, v13;
	v47 =	vld [tilespmem:s2+$0xFFFFFFD0]  }
0x92: {  	v4 =	vor.u32 v4, v21;
	v48 =	vadd.f32 v62, v38;
	[tilespmem:v37+s21+$0x0] =	vst.idx.msk $0xffff, v43;
	v49 =	vld [tilespmem:s25+$0xFFFFFFD0]  }
0x93: {  	v11 =	vadd.f32 v15, v11;
	[tilespmem:v17+s21+$0x0] =	vst.idx.msk $0xffff, v46;
	v50 =	vadd.s32 v1, v24;
	v51 =	vld [tilespmem:s2+$0xFFFFFFF0]  }
0x94: {  	v3 =	vor.u32 v3, v8;
	v52 =	vadd.s32 v31, v50;
	[tilespmem:v42+s21+$0x0] =	vst.idx.msk $0xffff, v48;
	v53 =	vld [tilespmem:s25+$0xFFFFFFF0]  }
0x95: {  	[tilespmem:v2+s21+$0x0] =	vst.idx.msk $0xffff, v11;
	v2 =	vadd.s32 v7, v50;
	v54 =	vor.u32 v28, v52;
	v55 =	vld [tilespmem:s2+$0x10]  }
0x96: {  	v56 =	vadd.f32 v26, v25;
	v57 =	vadd.s32 v58, v50;
	v2 =	vor.u32 v9, v2;
	v58 =	vld [tilespmem:s25+$0x10]  }
0x97: {  	v6 =	vadd.s32 v61, v50;
	v60 =	vor.u32 v10, v57;
	v59 =	vadd.f32 v41, v36  }
0x98: {  	s28 =	sadd.s32 s9, s11;
	v61 =	vor.u32 v63, v6;
	[tilespmem:v4+s21+$0x0] =	vst.idx.msk $0xffff, v56;
	v62 =	vadd.f32 v45, v44  }
0x99: {  	[tilespmem:v3+s21+$0x0] =	vst.idx.msk $0xffff, v59;
	s2 =	sshll.u32 s28, $0x11;
	v3 =	vadd.f32 v49, v47  }
0x9a: {  	s2 =	sor.u32 s7, s2;
	v63 =	vadd.f32 v53, v51;
	[tilespmem:v54+s21+$0x0] =	vst.idx.msk $0xffff, v62  }
0x9b: {  	s2 =	sshrl.u32 s2, $0x3;
	[tilespmem:v2+s21+$0x0] =	vst.idx.msk $0xffff, v3;
	v2 =	vadd.f32 v58, v55  }
0x9c: {  	s13 =	simm.s32 $0x10;
	s10 =	sadd.s32 s3, s2;
	[tilespmem:v60+s21+$0x0] =	vst.idx.msk $0xffff, v63  }
0x9d: {  	s14 =	simm.s32 $0x11088;
	s12 =	simm.s32 $0x11000;
	s25 =	sadd.s32 $0x0, s10;
	[tilespmem:v61+s21+$0x0] =	vst.idx.msk $0xffff, v2  }
.LBB2_8:
0x9e: {  	[hbm4b:s25+s4] =	stream.linear.scatter [tilespmem:s12], [sflag:$0x3], $0x80, $0x38;
	[tilespmem:$0x19800] =	vst v63  }
0x9f: {  	s2 =	smov.u32 s13;
	s12 =	smov.u32 s14;
	p1 =	sne.s32 s13, $0x1F0  }
.Ltmp6:
0xa0: {  	s13 =	sadd.s32 $0x10, s13;
	(pc) =	sbr.rel @p1 .LBB2_8-.Ltmp6, $2  }
0xa1: {  	_ =	sdelay $0x2  }
0xa2: {  	s14 =	sadd.s32 $0x88, s14;
	s25 =	sadd.s32 s2, s10  }
0xa3: {  	[hbm4b:s25+s4] =	stream.linear.scatter [tilespmem:s12], [sflag:$0x3], $0x80, $0x38;
	[tilespmem:$0x19800] =	vst v63  }
0xa4: {  	s12 =	sadd.s32 $0x1000, s10;
	s13 =	simm.s32 $0x12100  }
0xa5: {  	s14 =	simm.s32 $0x10;
	s25 =	simm.s32 $0x12188;
	s2 =	sadd.s32 $0x0, s12  }
.LBB2_10:
0xa6: {  	[hbm4b:s2+s4] =	stream.linear.scatter [tilespmem:s13], [sflag:$0x3], $0x80, $0x38;
	[tilespmem:$0x19800] =	vst v63  }
0xa7: {  	s2 =	smov.u32 s14;
	s13 =	smov.u32 s25;
	p1 =	sne.s32 s14, $0x1F0  }
.Ltmp7:
0xa8: {  	s14 =	sadd.s32 $0x10, s14;
	(pc) =	sbr.rel @p1 .LBB2_10-.Ltmp7, $2  }
0xa9: {  	_ =	sdelay $0x2  }
0xaa: {  	s25 =	sadd.s32 $0x88, s25;
	s2 =	sadd.s32 s2, s12  }
0xab: {  	[hbm4b:s2+s4] =	stream.linear.scatter [tilespmem:s13], [sflag:$0x3], $0x80, $0x38;
	[tilespmem:$0x19800] =	vst v63  }
0xac: {  	s12 =	sadd.s32 $0x2000, s10;
	s13 =	simm.s32 $0x13200  }
0xad: {  	s14 =	simm.s32 $0x10;
	s25 =	simm.s32 $0x13288;
	s2 =	sadd.s32 $0x0, s12  }
.LBB2_12:
0xae: {  	[hbm4b:s2+s4] =	stream.linear.scatter [tilespmem:s13], [sflag:$0x3], $0x80, $0x38;
	[tilespmem:$0x19800] =	vst v63  }
0xaf: {  	s2 =	smov.u32 s14;
	s13 =	smov.u32 s25;
	p1 =	sne.s32 s14, $0x1F0  }
.Ltmp8:
0xb0: {  	s14 =	sadd.s32 $0x10, s14;
	(pc) =	sbr.rel @p1 .LBB2_12-.Ltmp8, $2  }
0xb1: {  	_ =	sdelay $0x2  }
0xb2: {  	s25 =	sadd.s32 $0x88, s25;
	s2 =	sadd.s32 s2, s12  }
0xb3: {  	[hbm4b:s2+s4] =	stream.linear.scatter [tilespmem:s13], [sflag:$0x3], $0x80, $0x38;
	[tilespmem:$0x19800] =	vst v63  }
0xb4: {  	s10 =	sadd.s32 $0x3000, s10;
	s12 =	simm.s32 $0x14300  }
0xb5: {  	s13 =	simm.s32 $0x10;
	s14 =	simm.s32 $0x14388;
	s2 =	sadd.s32 $0x0, s10  }
.LBB2_14:
0xb6: {  	[hbm4b:s2+s4] =	stream.linear.scatter [tilespmem:s12], [sflag:$0x3], $0x80, $0x38;
	[tilespmem:$0x19800] =	vst v63  }
0xb7: {  	s2 =	smov.u32 s13;
	s12 =	smov.u32 s14;
	p1 =	sne.s32 s13, $0x1F0  }
.Ltmp9:
0xb8: {  	s13 =	sadd.s32 $0x10, s13;
	(pc) =	sbr.rel @p1 .LBB2_14-.Ltmp9, $2  }
0xb9: {  	_ =	sdelay $0x2  }
0xba: {  	s14 =	sadd.s32 $0x88, s14;
	s2 =	sadd.s32 s2, s10  }
0xbb: {  	[hbm4b:s2+s4] =	stream.linear.scatter [tilespmem:s12], [sflag:$0x3], $0x80, $0x38;
	[tilespmem:$0x19800] =	vst v63  }
.LBB2_16:
0xbc: {  	p1 =	seq.s32 s16, $0x0  }
.Ltmp10:
0xbd: {  	_ = 	snop;
	(pc) =	sbr.rel @p1 .LBB2_28-.Ltmp10, $1  }
0xbe: {  	_ =	sdelay $0x3  }
0xbf: {  	s2 =	sadd.s32 @p0 s9, s15  }
0xc0: {  	s10 =	sand.u32 @p0 $0x6, s2  }
0xc1: {  	p1 =	sne.s32 @p0 s10, $0x0  }
0xc2: {  	_ =	swait.ge [sflag:s22], $0x4000;
	p1 =	por p1, !p0  }
0xc3: {  	[sflag:s22] =	ssyncset.done $0x0;
	s2 =	sadd.s32 @!p1 s6, s2  }
0xc4: {  	[sflag:s22] =	ssyncadd.s32 $0xFFFFC000;
	s2 =	sshll.u32 @!p1 s2, $0x9  }
0xc5: {  	s12 =	rddreg [dreg:$0x0];
	s2 =	sand.u32 @!p1 $0x1FFFFE00, s2  }
0xc6: {  	s2 =	sadd.s32 @!p1 s12, s2;
	s12 =	simm.s32 @!p1 $0x0  }
0xc7: {  	[tilespmem:s12], [sflag:$0x5] =	stream.linear.gather @!p1 [hbm4b:s2+s12], $0x1000, $0x38;
	[tilespmem:$0x19800] =	vst v63  }
0xc8: {  	s2 =	simm.s32 @!p1 $0x5  }
0xc9: {  	_ =	swait.ge @!p1 [sflag:s2], $0x1000  }
0xca: {  	s12 =	simm.s32 @p0 $0x1000;
	[sflag:s2] =	ssyncset.done @!p1 $0x0  }
0xcb: {  	[sflag:s2] =	ssyncadd.s32 @!p1 $0xFFFFF000;
	s2 =	sshll.u32 @p0 s10, $0x7;
	s10 =	simm.s32 @p0 $0x80  }
0xcc: {  	[tilespmem:s12], [sflag:$0x1] =	stream.indirect.gather @p0 [hbm4b:s5+s10], $0x20, s2, s10, $0xb8;
	[tilespmem:$0x19800] =	vst v63  }
0xcd: {  	s12 =	simm.s32 @p0 $0x9000  }
0xce: {  	[tilespmem:s12], [sflag:$0x1] =	stream.indirect.gather @p0 [hbm4b:s8+s10], $0x20, s2, s10, $0xb8;
	[tilespmem:$0x19800] =	vst v63  }
0xcf: {  	s13 =	simm.s32 @p0 $0x2000;
	s12 =	sor.u32 @p0 $0x400, s2  }
0xd0: {  	[tilespmem:s13], [sflag:$0x1] =	stream.indirect.gather @p0 [hbm4b:s5+s10], $0x20, s12, s10, $0xb8;
	[tilespmem:$0x19800] =	vst v63  }
0xd1: {  	s13 =	simm.s32 @p0 $0xA000  }
0xd2: {  	[tilespmem:s13], [sflag:$0x1] =	stream.indirect.gather @p0 [hbm4b:s8+s10], $0x20, s12, s10, $0xb8;
	[tilespmem:$0x19800] =	vst v63  }
0xd3: {  	s12 =	sor.u32 @p0 $0x800, s2;
	s13 =	simm.s32 @p0 $0x3000  }
0xd4: {  	[tilespmem:s13], [sflag:$0x1] =	stream.indirect.gather @p0 [hbm4b:s5+s10], $0x20, s12, s10, $0xb8;
	[tilespmem:$0x19800] =	vst v63  }
0xd5: {  	s13 =	simm.s32 @p0 $0xB000  }
0xd6: {  	[tilespmem:s13], [sflag:$0x1] =	stream.indirect.gather @p0 [hbm4b:s8+s10], $0x20, s12, s10, $0xb8;
	[tilespmem:$0x19800] =	vst v63  }
0xd7: {  	s2 =	sor.u32 @p0 $0xC00, s2;
	s12 =	simm.s32 @p0 $0x4000  }
0xd8: {  	[tilespmem:s12], [sflag:$0x1] =	stream.indirect.gather @p0 [hbm4b:s5+s10], $0x20, s2, s10, $0xb8;
	[tilespmem:$0x19800] =	vst v63  }
0xd9: {  	s12 =	simm.s32 @p0 $0xC000  }
0xda: {  	[tilespmem:s12], [sflag:$0x1] =	stream.indirect.gather @p0 [hbm4b:s8+s10], $0x20, s2, s10, $0xb8;
	[tilespmem:$0x19800] =	vst v63  }
0xdb: {  	_ =	swait.ge [sflag:s23], $0x4000  }
0xdc: {  	s16 =	simm.s32 $0x0;
	[sflag:s23] =	ssyncset.done $0x0  }
0xdd: {  	v2 =	vmov s16;
	[sflag:s23] =	ssyncadd.s32 $0xFFFFC000  }
0xde: {  	v2 =	vmul.u32 $0x440, v2;
	_ =	swait.ge [sflag:s23], $0x4000  }
0xdf: {  	[sflag:s23] =	ssyncset.done $0x0  }
0xe0: {  	s25 =	simm.s32 $0x3;
	v3 =	vbroadcast v2, $0x0;
	s10 =	simm.s32 $0x0;
	[sflag:s23] =	ssyncadd.s32 $0xFFFFC000  }
0xe1: {  	v2 =	vmov s25;
	v4 =	vld [tilespmem:s10+$0x5060]  }
0xe2: {  	s28 =	simm.s32 $0x0;
	v7 =	vand.u32 $0x78, v2;
	v5 =	vadd.s32 v0, v3;
	v6 =	vld [tilespmem:s10+$0xD060]  }
0xe3: {  	v8 =	vmov s28;
	v10 =	vand.u32 $0x7, v2;
	v2 =	vadd.s32 v7, v5;
	v9 =	vld [tilespmem:s10+$0x5000]  }
0xe4: {  	v11 =	vand.u32 $0x78, v8;
	v2 =	vor.u32 v10, v2;
	v12 =	vld [tilespmem:s10+$0xD000]  }
0xe5: {  	v8 =	vand.u32 $0x4, v8;
	v14 =	vadd.s32 v11, v5;
	s12 =	simm.s32 $0x1  }
0xe6: {  	v14 =	vor.u32 v8, v14;
	v13 =	vmov s12;
	v15 =	vld [tilespmem:s10+$0x5020]  }
0xe7: {  	s13 =	simm.s32 $0x2;
	v17 =	vand.u32 $0x78, v13;
	v18 =	vld [tilespmem:s10+$0xD020];
	v4 =	vadd.f32 v6, v4  }
0xe8: {  	v16 =	vmov s13;
	v13 =	vand.u32 $0x5, v13;
	v19 =	vadd.s32 v17, v5;
	v20 =	vld [tilespmem:s10+$0x5040]  }
0xe9: {  	v21 =	vand.u32 $0x78, v16;
	v6 =	vor.u32 v13, v19;
	v19 =	vld [tilespmem:s10+$0xD040];
	v9 =	vadd.f32 v12, v9;
	[tilespmem:v2+s24+$0x0] =	vst.idx.msk $0xffff, v4  }
0xea: {  	v3 =	vadd.s32 v1, v3;
	v16 =	vand.u32 $0x6, v16;
	v5 =	vadd.s32 v21, v5;
	v12 =	vld [tilespmem:s10+$0x5070]  }
0xeb: {  	s14 =	simm.s32 $0x4;
	v7 =	vadd.s32 v7, v3;
	v5 =	vor.u32 v16, v5;
	[tilespmem:v14+s24+$0x0] =	vst.idx.msk $0xffff, v9;
	v14 =	vld [tilespmem:s10+$0xD070]  }
0xec: {  	s16 =	simm.s32 $0x0;
	v7 =	vor.u32 v10, v7;
	v4 =	vmov s14;
	v9 =	vadd.f32 v18, v15;
	v15 =	vld [tilespmem:s10+$0x5010]  }
0xed: {  	v2 =	vand.u32 $0x4, v4;
	v22 =	vand.u32 $0x78, v4;
	v4 =	vmov s16;
	v18 =	vld [tilespmem:s10+$0xD010];
	s16 =	simm.s32 $0x80  }
0xee: {  	s28 =	simm.s32 $0x6;
	v10 =	vadd.s32 v21, v3;
	v21 =	vld [tilespmem:s16+$0x5060];
	[tilespmem:v6+s24+$0x0] =	vst.idx.msk $0xffff, v9;
	v6 =	vadd.f32 v19, v20;
	v19 =	vmul.u32 $0x440, v4  }
0xef: {  	v23 =	vmov s28;
	s25 =	simm.s32 $0x5;
	v11 =	vadd.s32 v11, v3;
	v26 =	vld [tilespmem:s16+$0xD060]  }
0xf0: {  	s13 =	simm.s32 $0x7;
	v28 =	vld [tilespmem:s16+$0x5000];
	v9 =	vmov s25;
	[tilespmem:v5+s24+$0x0] =	vst.idx.msk $0xffff, v6;
	v5 =	vadd.s32 v17, v3;
	v17 =	vbroadcast v19, $0x0  }
0xf1: {  	v11 =	vor.u32 v8, v11;
	v31 =	vld [tilespmem:s16+$0xD040];
	v4 =	vand.u32 $0x5, v9;
	v19 =	vmov s13  }
0xf2: {  	v20 =	vld [tilespmem:s10+$0x5030];
	v30 =	vand.u32 $0x78, v9;
	v27 =	vand.u32 $0x78, v19;
	v25 =	vadd.s32 v0, v17  }
0xf3: {  	v24 =	vld [tilespmem:s10+$0xD030];
	v3 =	vand.u32 $0x6, v23;
	v29 =	vand.u32 $0x7, v19;
	v8 =	vadd.s32 v27, v25  }
0xf4: {  	v13 =	vor.u32 v13, v5;
	v12 =	vadd.f32 v14, v12;
	v14 =	vld [tilespmem:s16+$0xD000];
	v19 =	vor.u32 v29, v8  }
0xf5: {  	v5 =	vor.u32 v16, v10;
	v16 =	vld [tilespmem:s16+$0x5020];
	v10 =	vadd.f32 v18, v15;
	v9 =	vadd.s32 v22, v25  }
0xf6: {  	[tilespmem:v7+s24+$0x0] =	vst.idx.msk $0xffff, v12;
	v7 =	vadd.s32 v30, v25;
	v8 =	vand.u32 $0x78, v23;
	v15 =	vor.u32 v2, v9;
	v23 =	vld [tilespmem:s16+$0xD020]  }
0xf7: {  	v6 =	vld [tilespmem:s10+$0x5050];
	v18 =	vadd.f32 v26, v21;
	[tilespmem:v11+s24+$0x0] =	vst.idx.msk $0xffff, v10;
	v26 =	vor.u32 v4, v7  }
0xf8: {  	s12 =	simm.s32 $0x8;
	v7 =	vadd.f32 v24, v20;
	v20 =	vadd.s32 v1, v17;
	v9 =	vadd.s32 v8, v25;
	v25 =	vld [tilespmem:s16+$0x5040]  }
0xf9: {  	s28 =	simm.s32 $0x0;
	v10 =	vmov s12;
	v22 =	vadd.s32 v22, v20;
	v11 =	vadd.f32 v14, v28;
	[tilespmem:v19+s24+$0x0] =	vst.idx.msk $0xffff, v18;
	v19 =	vld [tilespmem:s10+$0xD050]  }
0xfa: {  	v24 =	vmov s28;
	v21 =	vadd.s32 v30, v20;
	v12 =	vor.u32 v3, v9;
	[tilespmem:v13+s24+$0x0] =	vst.idx.msk $0xffff, v7;
	v13 =	vld [tilespmem:s16+$0x5070]  }
0xfb: {  	s14 =	simm.s32 $0x9;
	s25 =	simm.s32 $0xA;
	v27 =	vadd.s32 v27, v20;
	v9 =	vand.u32 $0x4, v10;
	[tilespmem:v15+s24+$0x0] =	vst.idx.msk $0xffff, v11;
	v17 =	vadd.f32 v23, v16;
	v16 =	vld [tilespmem:s16+$0xD070]  }
0xfc: {  	v7 =	vand.u32 $0x78, v10;
	v14 =	vmov s25;
	v18 =	vmov s14;
	v11 =	vld [tilespmem:s16+$0x5010]  }
0xfd: {  	s13 =	simm.s32 $0xC;
	s10 =	simm.s32 $0x200;
	v10 =	vand.u32 $0x5, v18;
	v15 =	vld [tilespmem:s16+$0xD010];
	v23 =	vadd.f32 v31, v25;
	[tilespmem:v26+s24+$0x0] =	vst.idx.msk $0xffff, v17;
	v17 =	vor.u32 v29, v27  }
.LBB2_18:
0xfe: {  	p0 =	slt.u32 s13, $0x1FC;
	v24 =	vmul.u32 $0x440, v24;
	v25 =	vld [tilespmem:s16+$0x5030];
	v8 =	vadd.s32 v8, v20;
	v19 =	vadd.f32 v19, v6  }
0xff: {  	v20 =	vand.u32 $0x6, v14;
	v22 =	vor.u32 v2, v22;
	v21 =	vor.u32 v4, v21;
	s10 =	sadd.s32 $0x200, s10;
	v26 =	vld [tilespmem:s16+$0xD030];
	[tilespmem:v12+s24+$0x0] =	vst.idx.msk $0xffff, v23  }
0x100: {  	s14 =	sadd.s32 $0x3, s12;
	s12 =	smov.u32 s13;
	s2 =	sshra.s32 s10, $0x2;
	v23 =	vbroadcast v24, $0x0;
	v6 =	vld [tilespmem:s16+$0x5050];
	v28 =	vadd.f32 v16, v13;
	[tilespmem:v5+s24+$0x0] =	vst.idx.msk $0xffff, v19;
	v5 =	vor.u32 v3, v8  }
0x101: {  	v2 =	vmovc v9;
	v12 =	vmov s14;
	v24 =	vand.u32 $0x78, v18;
	v8 =	vand.u32 $0x78, v14;
	v3 =	vmovc v20;
	v13 =	vld [tilespmem:s2+$0x5060]  }
0x102: {  	v27 =	vand.u32 $0x78, v12;
	v9 =	vadd.s32 v0, v23;
	v14 =	vld [tilespmem:s2+$0xD060];
	v11 =	vadd.f32 v15, v11;
	[tilespmem:v17+s24+$0x0] =	vst.idx.msk $0xffff, v28  }
0x103: {  	v4 =	vmovc v10;
	v17 =	vand.u32 $0x7, v12;
	v15 =	vld [tilespmem:s2+$0x5000];
	v16 =	vadd.s32 v7, v9;
	v12 =	vadd.s32 v27, v9  }
0x104: {  	v18 =	vadd.s32 v24, v9;
	v9 =	vadd.s32 v8, v9;
	v10 =	vld [tilespmem:s2+$0xD000];
	v19 =	vor.u32 v17, v12  }
0x105: {  	v16 =	vor.u32 v2, v16;
	v29 =	vor.u32 v4, v18;
	v12 =	vor.u32 v3, v9;
	v28 =	vld [tilespmem:s2+$0x5020]  }
0x106: {  	v9 =	vadd.f32 v26, v25;
	v30 =	vld [tilespmem:s2+$0xD020];
	[tilespmem:v22+s24+$0x0] =	vst.idx.msk $0xffff, v11  }
0x107: {  	v25 =	vld [tilespmem:s2+$0x5040];
	v11 =	vadd.f32 v14, v13  }
0x108: {  	v13 =	vmov s13;
	v26 =	vld [tilespmem:s2+$0xD040];
	[tilespmem:v21+s24+$0x0] =	vst.idx.msk $0xffff, v9  }
.Ltmp11:
0x109: {  	s25 =	sadd.s32 $0x2, s13;
	s14 =	sadd.s32 $0x1, s13;
	v9 =	vand.u32 $0x4, v13;
	v15 =	vadd.f32 v10, v15;
	[tilespmem:v19+s24+$0x0] =	vst.idx.msk $0xffff, v11;
	v19 =	vld [tilespmem:s16+$0xD050];
	(pc) =	sbr.rel @p0 .LBB2_18-.Ltmp11, $4  }
0x10a: {  	v18 =	vmov s14;
	v14 =	vmov s25;
	v31 =	vand.u32 $0x78, v13;
	s16 =	smov.u32 s2;
	v13 =	vld [tilespmem:s2+$0x5070]  }
0x10b: {  	v20 =	vadd.s32 v1, v23;
	v10 =	vand.u32 $0x5, v18;
	[tilespmem:v16+s24+$0x0] =	vst.idx.msk $0xffff, v15;
	v23 =	vadd.f32 v30, v28;
	v16 =	vld [tilespmem:s16+$0xD070]  }
0x10c: {  	v27 =	vadd.s32 v27, v20;
	v22 =	vadd.s32 v7, v20;
	v21 =	vadd.s32 v24, v20;
	v7 =	vmovc v31;
	s2 =	sshrl.u32 s13, $0x7;
	v11 =	vld [tilespmem:s16+$0x5010]  }
0x10d: {  	v17 =	vor.u32 v17, v27;
	s13 =	sadd.s32 $0x4, s13;
	v24 =	vmov s2;
	v15 =	vld [tilespmem:s16+$0xD010];
	[tilespmem:v29+s24+$0x0] =	vst.idx.msk $0xffff, v23;
	v23 =	vadd.f32 v26, v25  }
0x10e: {  	v24 =	vmul.u32 $0x440, v24;
	v25 =	vld [tilespmem:s16+$0x5030];
	s2 =	sadd.s32 $0x200, s10  }
0x10f: {  	v26 =	vld [tilespmem:s16+$0xD030];
	s2 =	sshra.s32 s2, $0x2  }
0x110: {  	s25 =	sadd.s32 $0x3, s12;
	v24 =	vbroadcast v24, $0x0;
	v27 =	vld [tilespmem:s2+$0x5060]  }
0x111: {  	v28 =	vmov s25;
	v29 =	vld [tilespmem:s2+$0xD060]  }
0x112: {  	v31 =	vand.u32 $0x78, v28;
	v32 =	vld [tilespmem:s2+$0x5000];
	v30 =	vadd.s32 v0, v24  }
0x113: {  	v28 =	vand.u32 $0x7, v28;
	v34 =	vld [tilespmem:s2+$0xD000];
	v33 =	vadd.s32 v31, v30  }
0x114: {  	v35 =	vld [tilespmem:s2+$0x5020];
	v33 =	vor.u32 v28, v33  }
0x115: {  	[tilespmem:v12+s24+$0x0] =	vst.idx.msk $0xffff, v23;
	v60 =	vld [tilespmem:s2+$0xD020];
	v59 =	vadd.s32 v7, v30  }
0x116: {  	v58 =	vand.u32 $0x78, v18;
	v36 =	vld [tilespmem:s16+$0x5050];
	v18 =	vor.u32 v9, v59  }
0x117: {  	v38 =	vld [tilespmem:s2+$0x5040];
	v37 =	vadd.s32 v58, v30;
	v27 =	vadd.f32 v29, v27  }
0x118: {  	v61 =	vand.u32 $0x78, v14;
	v62 =	vld [tilespmem:s2+$0xD040];
	v37 =	vor.u32 v10, v37  }
0x119: {  	v63 =	vand.u32 $0x6, v14;
	v41 =	vld [tilespmem:s16+$0xD050];
	v39 =	vadd.s32 v61, v30;
	v40 =	vadd.f32 v34, v32;
	[tilespmem:v33+s24+$0x0] =	vst.idx.msk $0xffff, v27  }
0x11a: {  	v6 =	vadd.f32 v19, v6;
	v42 =	vor.u32 v63, v39;
	v44 =	vld [tilespmem:s2+$0x5070]  }
0x11b: {  	v2 =	vor.u32 v2, v22;
	v43 =	vadd.f32 v60, v35;
	[tilespmem:v18+s24+$0x0] =	vst.idx.msk $0xffff, v40;
	v45 =	vld [tilespmem:s2+$0xD070]  }
0x11c: {  	v8 =	vadd.s32 v8, v20;
	[tilespmem:v5+s24+$0x0] =	vst.idx.msk $0xffff, v6;
	v46 =	vadd.f32 v16, v13;
	v47 =	vld [tilespmem:s2+$0x5010]  }
0x11d: {  	v4 =	vor.u32 v4, v21;
	v48 =	vadd.f32 v62, v38;
	[tilespmem:v37+s24+$0x0] =	vst.idx.msk $0xffff, v43;
	v49 =	vld [tilespmem:s2+$0xD010]  }
0x11e: {  	v11 =	vadd.f32 v15, v11;
	[tilespmem:v17+s24+$0x0] =	vst.idx.msk $0xffff, v46;
	v50 =	vadd.s32 v1, v24;
	v51 =	vld [tilespmem:s2+$0x5030]  }
0x11f: {  	v3 =	vor.u32 v3, v8;
	v52 =	vadd.s32 v31, v50;
	[tilespmem:v42+s24+$0x0] =	vst.idx.msk $0xffff, v48;
	v53 =	vld [tilespmem:s2+$0xD030]  }
0x120: {  	[tilespmem:v2+s24+$0x0] =	vst.idx.msk $0xffff, v11;
	v2 =	vadd.s32 v7, v50;
	v54 =	vor.u32 v28, v52;
	v55 =	vld [tilespmem:s2+$0x5050]  }
0x121: {  	v56 =	vadd.f32 v26, v25;
	v57 =	vadd.s32 v58, v50;
	v2 =	vor.u32 v9, v2;
	v58 =	vld [tilespmem:s2+$0xD050]  }
0x122: {  	v6 =	vadd.s32 v61, v50;
	v59 =	vadd.f32 v41, v36;
	v60 =	vor.u32 v10, v57  }
0x123: {  	s28 =	sadd.s32 s9, s11;
	v61 =	vor.u32 v63, v6;
	[tilespmem:v4+s24+$0x0] =	vst.idx.msk $0xffff, v56;
	v62 =	vadd.f32 v45, v44  }
0x124: {  	[tilespmem:v3+s24+$0x0] =	vst.idx.msk $0xffff, v59;
	s2 =	sshll.u32 s28, $0x11;
	v3 =	vadd.f32 v49, v47  }
0x125: {  	s2 =	sor.u32 s7, s2;
	v63 =	vadd.f32 v53, v51;
	[tilespmem:v54+s24+$0x0] =	vst.idx.msk $0xffff, v62  }
0x126: {  	s2 =	sshrl.u32 s2, $0x3;
	[tilespmem:v2+s24+$0x0] =	vst.idx.msk $0xffff, v3;
	v2 =	vadd.f32 v58, v55  }
0x127: {  	s11 =	simm.s32 $0x15400;
	s10 =	sadd.s32 s3, s2;
	[tilespmem:v60+s24+$0x0] =	vst.idx.msk $0xffff, v63  }
0x128: {  	s12 =	simm.s32 $0x10;
	s13 =	simm.s32 $0x15488;
	s2 =	sadd.s32 $0x0, s10;
	[tilespmem:v61+s24+$0x0] =	vst.idx.msk $0xffff, v2  }
.LBB2_20:
0x129: {  	[hbm4b:s2+s4] =	stream.linear.scatter [tilespmem:s11], [sflag:$0x4], $0x80, $0x38;
	[tilespmem:$0x19800] =	vst v63  }
0x12a: {  	s2 =	smov.u32 s12;
	s11 =	smov.u32 s13;
	p0 =	sne.s32 s12, $0x1F0  }
.Ltmp12:
0x12b: {  	s12 =	sadd.s32 $0x10, s12;
	(pc) =	sbr.rel @p0 .LBB2_20-.Ltmp12, $2  }
0x12c: {  	_ =	sdelay $0x2  }
0x12d: {  	s13 =	sadd.s32 $0x88, s13;
	s2 =	sadd.s32 s2, s10  }
0x12e: {  	[hbm4b:s2+s4] =	stream.linear.scatter [tilespmem:s11], [sflag:$0x4], $0x80, $0x38;
	[tilespmem:$0x19800] =	vst v63  }
0x12f: {  	s11 =	sadd.s32 $0x1000, s10;
	s12 =	simm.s32 $0x16500  }
0x130: {  	s13 =	simm.s32 $0x10;
	s14 =	simm.s32 $0x16588;
	s2 =	sadd.s32 $0x0, s11  }
.LBB2_22:
0x131: {  	[hbm4b:s2+s4] =	stream.linear.scatter [tilespmem:s12], [sflag:$0x4], $0x80, $0x38;
	[tilespmem:$0x19800] =	vst v63  }
0x132: {  	s2 =	smov.u32 s13;
	s12 =	smov.u32 s14;
	p0 =	sne.s32 s13, $0x1F0  }
.Ltmp13:
0x133: {  	s13 =	sadd.s32 $0x10, s13;
	(pc) =	sbr.rel @p0 .LBB2_22-.Ltmp13, $2  }
0x134: {  	_ =	sdelay $0x2  }
0x135: {  	s14 =	sadd.s32 $0x88, s14;
	s2 =	sadd.s32 s2, s11  }
0x136: {  	[hbm4b:s2+s4] =	stream.linear.scatter [tilespmem:s12], [sflag:$0x4], $0x80, $0x38;
	[tilespmem:$0x19800] =	vst v63  }
0x137: {  	s11 =	sadd.s32 $0x2000, s10;
	s12 =	simm.s32 $0x17600  }
0x138: {  	s13 =	simm.s32 $0x10;
	s14 =	simm.s32 $0x17688;
	s2 =	sadd.s32 $0x0, s11  }
.LBB2_24:
0x139: {  	[hbm4b:s2+s4] =	stream.linear.scatter [tilespmem:s12], [sflag:$0x4], $0x80, $0x38;
	[tilespmem:$0x19800] =	vst v63  }
0x13a: {  	s2 =	smov.u32 s13;
	s12 =	smov.u32 s14;
	p0 =	sne.s32 s13, $0x1F0  }
.Ltmp14:
0x13b: {  	s13 =	sadd.s32 $0x10, s13;
	(pc) =	sbr.rel @p0 .LBB2_24-.Ltmp14, $2  }
0x13c: {  	_ =	sdelay $0x2  }
0x13d: {  	s14 =	sadd.s32 $0x88, s14;
	s2 =	sadd.s32 s2, s11  }
0x13e: {  	[hbm4b:s2+s4] =	stream.linear.scatter [tilespmem:s12], [sflag:$0x4], $0x80, $0x38;
	[tilespmem:$0x19800] =	vst v63  }
0x13f: {  	s10 =	sadd.s32 $0x3000, s10;
	s11 =	simm.s32 $0x18700  }
0x140: {  	s12 =	simm.s32 $0x10;
	s13 =	simm.s32 $0x18788;
	s2 =	sadd.s32 $0x0, s10  }
.LBB2_26:
0x141: {  	[hbm4b:s2+s4] =	stream.linear.scatter [tilespmem:s11], [sflag:$0x4], $0x80, $0x38;
	[tilespmem:$0x19800] =	vst v63  }
0x142: {  	s2 =	smov.u32 s12;
	s11 =	smov.u32 s13;
	p0 =	sne.s32 s12, $0x1F0  }
.Ltmp15:
0x143: {  	s12 =	sadd.s32 $0x10, s12;
	(pc) =	sbr.rel @p0 .LBB2_26-.Ltmp15, $2  }
0x144: {  	_ =	sdelay $0x2  }
0x145: {  	s13 =	sadd.s32 $0x88, s13;
	s2 =	sadd.s32 s2, s10  }
.Ltmp16:
0x146: {  	(pc) =	sbr.rel .LBB2_28-.Ltmp16, $2  }
0x147: {  	_ =	sdelay $0x2  }
0x148: {  	[hbm4b:s2+s4] =	stream.linear.scatter [tilespmem:s11], [sflag:$0x4], $0x80, $0x38;
	[tilespmem:$0x19800] =	vst v63  }
.LBB2_4:
0x149: {  	p1 =	sne.s32 s16, $0x0  }
.Ltmp17:
0x14a: {  	_ = 	snop;
	(pc) =	sbr.rel @p1 .LBB2_16-.Ltmp17, $4  }
.Ltmp18:
0x14b: {  	_ = 	snop;
	(pc) =	sbr.rel @!p1 .LBB2_5-.Ltmp18, $4  }
0x14c: {  	_ = 	snop  }
0x14d: {  	_ = 	snop  }
0x14e: {  	s15 =	sadd.s32 $0x1, s11;
	p0 =	sne.s32 s11, $0x31  }
0x14f: {  	_ = 	snop  }
.LBB2_30:
0x150: {  	_ =	sfence.sel $0x180000  }
0x151: {  	[bflag:$0x0] =	sbarrier.arrive $0xFFFF  }
0x152: {  	_ =	strace $0x90000047  }
0x153: {  	s0 =	stileid.u32;
	[bflag:$0x2] =	sbarrier.arrive $0xFFFF  }
0x154: {  	p0 =	sne.s32 s0, $0x0;
	s0 =	rddreg [dreg:$0x3]  }
0x155: {  	s0 =	sadd.s32 @!p0 $0x100000, s0  }
0x156: {  	[sflag:s0] =	ssyncadd.tile.s32 @!p0 $0x1;
	_ =	shalt  }
.Lfunc_end2:
_tile_overlayer_lowered:
.L_overlay_start_2:
0x157: {  	(tag) =	ssettag $0x2  }
0x158: {  	s0 =	rddreg [dreg:$0x0];
	s2 =	stileid.u32  }
0x159: {  	s1 =	rddreg [dreg:$0x1];
	p0 =	sne.s32 s2, $0x0  }
0x15a: {  	s3 =	rddreg [dreg:$0x2];
	[bflag:$0x3] =	sbarrier.arrive $0xFFFF;
	s2 =	simm.s32 @!p0 $0x1C05  }
0x15b: {  	[timem:s3], [sflag:s2] =	dma.local @!p0 [hbm:s0], s1  }
0x15c: {  	s0 =	simm.s32 @!p0 $0x5  }
0x15d: {  	_ =	swait.ge @!p0 [sflag:s0], s1  }
0x15e: {  	s1 =	ssub.s32 @!p0 $0x0, s1;
	[sflag:s0] =	ssyncset.done @!p0 $0x0  }
0x15f: {  	[sflag:s0] =	ssyncadd.s32 @!p0 s1  }
0x160: {  	[bflag:$0x3] =	sbarrier.arrive $0xFFFF  }
0x161: {  	_ =	shalt  }

</sc_bundles>
